<compile_context>
chip_gen: v7x
topology: tpu7x:2x2x1
jax: 0.10.2.dev20260603
libtpu: 0.0.44.dev20260713+nightly
codegen_flags: <defaults>
</compile_context>

<pallas_src>
import functools

import jax
import jax.numpy as jnp
from jax import lax
from jax.experimental import pallas as pl
from jax.experimental.pallas import tpu as pltpu
from jax.experimental.pallas import tpu_sc as plsc

N = 10000
E = 320000
NC, NS = 2, 16
NW = NC * NS
NPAD = 10240
C = 80
NCH = 128
NB = 4
NST = 4
EPW = NCH * C
EPAD = NW * EPW
NROW = NPAD // C
RPT = NPAD // NS
BN = 1000


def _sc_mesh():
    return plsc.VectorSubcoreMesh(core_axis_name="c", subcore_axis_name="s")


EB = 32000


def _tc_histogram(edge_index):

    def body(ei_ref, out_ref):
        i = pl.program_id(0)

        @pl.when(i == 0)
        def _():
            out_ref[...] = jnp.zeros_like(out_ref)

        dr = ei_ref[1:2, :]
        subl = jax.lax.broadcasted_iota(jnp.int32, (128, EB), 0)
        hi_oh = (subl == lax.shift_right_logical(dr, 7)).astype(jnp.bfloat16)
        lo_oh = (subl == lax.bitwise_and(dr, 127)).astype(jnp.bfloat16)
        out_ref[...] += lax.dot_general(
            hi_oh, lo_oh, (((1,), (1,)), ((), ())),
            preferred_element_type=jnp.float32)

    return pl.pallas_call(
        body,
        grid=(E // EB,),
        in_specs=[pl.BlockSpec((2, EB), lambda i: (0, i))],
        out_specs=pl.BlockSpec((128, 128), lambda i: (0, 0)),
        out_shape=jax.ShapeDtypeStruct((128, 128), jnp.float32),
    )(edge_index)


def _sc_aggregate(u, src3, dst3, zeros_pad, d=128):

    @functools.partial(
        pl.kernel,
        out_type=jax.ShapeDtypeStruct((NC, NPAD, d), jnp.float32),
        mesh=_sc_mesh(),
        compiler_params=(None if d == 128 else
                         pltpu.CompilerParams(use_tc_tiling_on_sc=False)),
        scratch_types=(
            [pltpu.VMEM((NCH // NST, C), jnp.int32),
             pltpu.VMEM((NCH // NST, C), jnp.int32)]
            + [pltpu.VMEM((C, d), jnp.float32) for _ in range(NB)]
            + [pltpu.VMEM_SHARED((NPAD, d), jnp.float32)]
            + [pltpu.SemaphoreType.DMA for _ in range(2 * NB)]
        ),
    )
    def agg_kernel(u_hbm, src_hbm, dst_hbm, z_hbm, out_hbm,
                   src_v, dst_v, *rest):
        rows = rest[:NB]
        acc = rest[NB]
        sem_g = rest[NB + 1:NB + 1 + NB]
        sem_s = rest[NB + 1 + NB:]
        cid = lax.axis_index("c")
        sid = lax.axis_index("s")
        wid = cid * NS + sid
        nps = NCH // NST
        pltpu.sync_copy(z_hbm.at[pl.ds(sid * RPT, RPT)],
                        acc.at[pl.ds(sid * RPT, RPT)])
        plsc.subcore_barrier()

        def wait_gather(b):
            pltpu.make_async_copy(u_hbm.at[pl.ds(0, C)], rows[b],
                                  sem_g[b]).wait()

        def wait_scatter(b):
            pltpu.make_async_copy(rows[b], acc.at[pl.ds(0, C)],
                                  sem_s[b]).wait()

        def stage(s, carry):
            pltpu.sync_copy(src_hbm.at[wid, pl.ds(s * nps, nps)], src_v)
            pltpu.sync_copy(dst_hbm.at[wid, pl.ds(s * nps, nps)], dst_v)
            for b in range(NB):
                pltpu.async_copy(u_hbm.at[src_v.at[b]], rows[b], sem_g[b])

            def grp(p, c2):
                j = NB * p
                for b in range(NB):
                    wait_gather(b)
                    pltpu.async_copy(rows[b], acc.at[dst_v.at[j + b]],
                                     sem_s[b], add=True)
                for b in range(NB):
                    wait_scatter(b)

                    @pl.when(p + 1 < nps // NB)
                    def _():
                        pltpu.async_copy(u_hbm.at[src_v.at[j + NB + b]],
                                         rows[b], sem_g[b])
                return c2

            lax.fori_loop(0, nps // NB, grp, 0)
            return carry

        lax.fori_loop(0, NST, stage, 0)
        plsc.subcore_barrier()
        pltpu.sync_copy(acc.at[pl.ds(sid * RPT, RPT)],
                        out_hbm.at[cid, pl.ds(sid * RPT, RPT)])

    return agg_kernel(u, src3, dst3, zeros_pad)


def _tc_layer1(flatdeg, x, w1):

    def body(fd_ref, x_ref, w_ref, u_ref, dinv_ref):
        i = pl.program_id(0)
        n = i * BN + jax.lax.broadcasted_iota(jnp.int32, (BN, 128), 0)
        lanes = jax.lax.broadcasted_iota(jnp.int32, (BN, 128), 1)
        sel = (lanes == lax.shift_right_logical(n, 7)).astype(jnp.float32)
        mix = jnp.dot(sel, fd_ref[...], preferred_element_type=jnp.float32)
        mask = (lanes == lax.bitwise_and(n, 127)).astype(jnp.float32)
        deg = jnp.sum(mix * mask, axis=1, keepdims=True)
        dinv = lax.rsqrt(deg + 1.0)
        xw = jnp.dot(x_ref[...], w_ref[...], preferred_element_type=jnp.float32)
        u_ref[...] = dinv * xw
        dinv_ref[...] = jnp.broadcast_to(dinv, (BN, 128))

    return pl.pallas_call(
        body,
        grid=(N // BN,),
        in_specs=[
            pl.BlockSpec((128, 128), lambda i: (0, 0)),
            pl.BlockSpec((BN, 128), lambda i: (i, 0)),
            pl.BlockSpec((128, 128), lambda i: (0, 0)),
        ],
        out_specs=[
            pl.BlockSpec((BN, 128), lambda i: (i, 0)),
            pl.BlockSpec((BN, 128), lambda i: (i, 0)),
        ],
        out_shape=[
            jax.ShapeDtypeStruct((N, 128), jnp.float32),
            jax.ShapeDtypeStruct((N, 128), jnp.float32),
        ],
    )(flatdeg, x, w1)


def _tc_layer2(sp, u1, dinv, b1, w2):

    def body(s0_ref, s1_ref, u1_ref, dinv_ref, b_ref, w_ref, u2_ref):
        s = s0_ref[0] + s1_ref[0] + u1_ref[...]
        h = jnp.maximum(dinv_ref[...] * s + b_ref[...], 0.0)
        u2_ref[...] = dinv_ref[:, :64] * jnp.dot(
            h, w_ref[...], preferred_element_type=jnp.float32)

    return pl.pallas_call(
        body,
        grid=(N // BN,),
        in_specs=[
            pl.BlockSpec((1, BN, 128), lambda i: (0, i, 0)),
            pl.BlockSpec((1, BN, 128), lambda i: (1, i, 0)),
            pl.BlockSpec((BN, 128), lambda i: (i, 0)),
            pl.BlockSpec((BN, 128), lambda i: (i, 0)),
            pl.BlockSpec((1, 128), lambda i: (0, 0)),
            pl.BlockSpec((128, 64), lambda i: (0, 0)),
        ],
        out_specs=pl.BlockSpec((BN, 64), lambda i: (i, 0)),
        out_shape=jax.ShapeDtypeStruct((N, 64), jnp.float32),
    )(sp, sp, u1, dinv, b1.reshape(1, 128), w2)


def _tc_layer3(qp, u2, dinv, b2):

    def body(q0_ref, q1_ref, u2_ref, dinv_ref, b_ref, out_ref):
        z = (dinv_ref[:, :64] * (q0_ref[0] + q1_ref[0] + u2_ref[...])
             + b_ref[...])
        m = jnp.max(z, axis=1, keepdims=True)
        lse = jnp.log(jnp.sum(jnp.exp(z - m), axis=1, keepdims=True)) + m
        out_ref[...] = z - lse

    return pl.pallas_call(
        body,
        grid=(N // BN,),
        in_specs=[
            pl.BlockSpec((1, BN, 64), lambda i: (0, i, 0)),
            pl.BlockSpec((1, BN, 64), lambda i: (1, i, 0)),
            pl.BlockSpec((BN, 64), lambda i: (i, 0)),
            pl.BlockSpec((BN, 128), lambda i: (i, 0)),
            pl.BlockSpec((1, 64), lambda i: (0, 0)),
        ],
        out_specs=pl.BlockSpec((BN, 64), lambda i: (i, 0)),
        out_shape=jax.ShapeDtypeStruct((N, 64), jnp.float32),
    )(qp, qp, u2, dinv, b2.reshape(1, 64))


def _pad_edges(edge_index):
    ppw = EPW - E // NW
    pad_src = jnp.zeros((NW, ppw), jnp.int32)
    pad_dst = jnp.broadcast_to(N + jnp.arange(ppw, dtype=jnp.int32), (NW, ppw))
    src3 = jnp.concatenate(
        [edge_index[0].reshape(NW, E // NW), pad_src], axis=1).reshape(NW, NCH, C)
    dst3 = jnp.concatenate(
        [edge_index[1].reshape(NW, E // NW), pad_dst], axis=1).reshape(NW, NCH, C)
    return src3, dst3


def kernel(x, edge_index, W1, b1, W2, b2):
    src3, dst3 = _pad_edges(edge_index)
    z128 = jnp.zeros((NPAD, 128), jnp.float32)
    z64 = jnp.zeros((NPAD, 64), jnp.float32)

    flatdeg = _tc_histogram(edge_index)
    u1, dinv = _tc_layer1(flatdeg, x, W1)
    sp = _sc_aggregate(u1, src3, dst3, z128)
    u2 = _tc_layer2(sp, u1, dinv, b1, W2)
    qp = _sc_aggregate(u2, src3, dst3, z64, 64)
    return _tc_layer3(qp, u2, dinv, b2)

# --- scband reference (transcript-rebuilt; emitter-appended) ---
"""Pipeline reference for scband-gcn-21766894256615 (READ-ONLY COPY).

The authoritative reference and input builder live on the scoring server;
editing this copy changes nothing except your own understanding.
"""

import jax, jax.numpy as jnp
import numpy as np

N = 10000
E = 320000
D_IN = 128
D_HID = 128
D_OUT = 64


def setup_inputs(seed: int = 0) -> dict:
    key = jax.random.key(seed)
    ks = jax.random.split(key, 6)
    x = jax.random.normal(ks[0], (N, D_IN), dtype=jnp.float32)
    edge_index = jax.random.randint(ks[1], (2, E), 0, N, dtype=jnp.int32)
    W1 = jax.random.normal(ks[2], (D_IN, D_HID), dtype=jnp.float32) * (1.0 / np.sqrt(D_IN))
    b1 = jnp.zeros((D_HID,), dtype=jnp.float32)
    W2 = jax.random.normal(ks[3], (D_HID, D_OUT), dtype=jnp.float32) * (1.0 / np.sqrt(D_HID))
    b2 = jnp.zeros((D_OUT,), dtype=jnp.float32)
    return {"x": x, "edge_index": edge_index, "W1": W1, "b1": b1, "W2": W2, "b2": b2}


def _gcn_layer(x, edge_index, W, b):
    # GCNConv (Kipf & Welling): out = D^{-1/2} (A + I) D^{-1/2} X W + b
    n = x.shape[0]
    loop = jnp.arange(n, dtype=edge_index.dtype)
    src = jnp.concatenate([edge_index[0], loop])
    dst = jnp.concatenate([edge_index[1], loop])
    deg = jnp.zeros((n,), dtype=x.dtype).at[dst].add(1.0)
    dinv = jax.lax.rsqrt(jnp.maximum(deg, 1.0))
    norm = dinv[src] * dinv[dst]
    h = x @ W
    msg = h[src] * norm[:, None]
    out = jnp.zeros((n, W.shape[1]), dtype=x.dtype).at[dst].add(msg)
    return out + b


def reference(x, edge_index, W1, b1, W2, b2):
    h = _gcn_layer(x, edge_index, W1, b1)
    h = jax.nn.relu(h)
    # F.dropout(training=self.training): identity in eval mode
    out = _gcn_layer(h, edge_index, W2, b2)
    return jax.nn.log_softmax(out, axis=1)

if __name__ == "__main__":
    import jax
    _d = setup_inputs()
    print(jax.jit(kernel)(*tuple(_d.values())))

</pallas_src>

<mosaic_0001>
#map = affine_map<(d0, d1) -> (0, 0)>
#map1 = affine_map<(d0, d1) -> (0, 0, 0)>
module attributes {stable_mosaic.version = 14 : i64} {
  func.func @agg_kernel(%arg0: i32, %arg1: i32, %arg2: memref<10000x128xf32, #tpu.memory_space<hbm>>, %arg3: memref<32x128x80xi32, #tpu.memory_space<hbm>>, %arg4: memref<32x128x80xi32, #tpu.memory_space<hbm>>, %arg5: memref<10240x128xf32, #tpu.memory_space<hbm>>, %arg6: memref<2x10240x128xf32, #tpu.memory_space<hbm>>, %arg7: memref<32x80xi32, #tpu.memory_space<vmem>>, %arg8: memref<32x80xi32, #tpu.memory_space<vmem>>, %arg9: memref<80x128xf32, #tpu.memory_space<vmem>>, %arg10: memref<80x128xf32, #tpu.memory_space<vmem>>, %arg11: memref<80x128xf32, #tpu.memory_space<vmem>>, %arg12: memref<80x128xf32, #tpu.memory_space<vmem>>, %arg13: memref<10240x128xf32, #tpu.memory_space<vmem_shared>>, %arg14: memref<!tpu.dma_semaphore, #tpu.memory_space<semaphore_mem>>, %arg15: memref<!tpu.dma_semaphore, #tpu.memory_space<semaphore_mem>>, %arg16: memref<!tpu.dma_semaphore, #tpu.memory_space<semaphore_mem>>, %arg17: memref<!tpu.dma_semaphore, #tpu.memory_space<semaphore_mem>>, %arg18: memref<!tpu.dma_semaphore, #tpu.memory_space<semaphore_mem>>, %arg19: memref<!tpu.dma_semaphore, #tpu.memory_space<semaphore_mem>>, %arg20: memref<!tpu.dma_semaphore, #tpu.memory_space<semaphore_mem>>, %arg21: memref<!tpu.dma_semaphore, #tpu.memory_space<semaphore_mem>>) attributes {dimension_semantics = [#tpu.dimension_semantics<core_parallel>, #tpu.dimension_semantics<subcore_parallel>], iteration_bounds = array<i64: 2, 16>, scalar_prefetch = 0 : i64, scratch_operands = 15 : i64, tpu.core_type = #tpu.core_type<sc_vector_subcore>, window_params = [{transform_indices = #map}, {transform_indices = #map1}, {transform_indices = #map1}, {transform_indices = #map}, {transform_indices = #map1}]} {
    %mul3A = arith.constant 16 : i32
    %mul3A_0 = arith.muli %arg0, %mul3A : i32
    %add3A = arith.addi %mul3A_0, %arg1 : i32
    %mul3A_1 = arith.constant 640 : i32
    %mul3A_2 = arith.muli %arg1, %mul3A_1 : i32
    %mul3A_3 = arith.constant 640 : i32
    %mul3A_4 = arith.muli %arg1, %mul3A_3 : i32
    "tpu.region"() ({
      %run_scoped3A = tpu.sem_alloc : memref<!tpu.dma_semaphore, #tpu.memory_space<semaphore_mem>>
      %dma_start3A = arith.constant 0 : i32
      %dma_start3A_15 = tpu.memref_slice %arg13[%mul3A_4, %dma_start3A] : memref<10240x128xf32, #tpu.memory_space<vmem_shared>> -> memref<640x128xf32, #tpu.memory_space<vmem_shared>>
      %dma_start3A_16 = arith.constant 0 : i32
      %dma_start3A_17 = tpu.memref_slice %arg5[%mul3A_2, %dma_start3A_16] : memref<10240x128xf32, #tpu.memory_space<hbm>> -> memref<640x128xf32, #tpu.memory_space<hbm>>
      tpu.enqueue_dma source(%dma_start3A_17 : memref<640x128xf32, #tpu.memory_space<hbm>>) target(%dma_start3A_15 : memref<640x128xf32, #tpu.memory_space<vmem_shared>>) target_semaphore(%run_scoped3A : memref<!tpu.dma_semaphore, #tpu.memory_space<semaphore_mem>>)
      %dma_wait3A = arith.constant 0 : i32
      %dma_wait3A_18 = tpu.memref_slice %arg13[%mul3A_4, %dma_wait3A] : memref<10240x128xf32, #tpu.memory_space<vmem_shared>> -> memref<640x128xf32, #tpu.memory_space<vmem_shared>>
      %dma_wait3A_19 = arith.constant 0 : i32
      %dma_wait3A_20 = tpu.memref_slice %arg5[%mul3A_2, %dma_wait3A_19] : memref<10240x128xf32, #tpu.memory_space<hbm>> -> memref<640x128xf32, #tpu.memory_space<hbm>>
      tpu.wait_dma2 semaphore(%run_scoped3A : memref<!tpu.dma_semaphore, #tpu.memory_space<semaphore_mem>>) src(%dma_wait3A_20 : memref<640x128xf32, #tpu.memory_space<hbm>>) dst(%dma_wait3A_18 : memref<640x128xf32, #tpu.memory_space<vmem_shared>>)
      tpu.yield
    }) : () -> ()
    %barrier3A = arith.constant 0 : index
    tpu.barrier barrier_id(%barrier3A)
    %scan3A = arith.constant 0 : i32
    %scan3A_5 = arith.constant 0 : i32
    %scan3A_6 = arith.constant 4 : i32
    %scan3A_7 = arith.addi %scan3A_5, %scan3A_6 : i32
    %scan3A_8 = arith.constant 1 : i32
    scf.for %scan3A_15 = %scan3A_5 to %scan3A_7 step %scan3A_8  : i32 {
      %mul3A_16 = arith.constant 32 : i32
      %mul3A_17 = arith.muli %scan3A_15, %mul3A_16 : i32
      "tpu.region"() ({
        %run_scoped3A = tpu.sem_alloc : memref<!tpu.dma_semaphore, #tpu.memory_space<semaphore_mem>>
        %dma_start3A_53 = arith.constant 0 : i32
        %dma_start3A_54 = tpu.memref_slice %arg3[%add3A, %mul3A_17, %dma_start3A_53] : memref<32x128x80xi32, #tpu.memory_space<hbm>> -> memref<1x32x80xi32, #tpu.memory_space<hbm>>
        %dma_start3A_55 = tpu.memref_squeeze %dma_start3A_54 : memref<1x32x80xi32, #tpu.memory_space<hbm>> -> memref<32x80xi32, #tpu.memory_space<hbm>>
        %dma_start3A_56 = arith.constant 0 : i32
        %dma_start3A_57 = tpu.memref_slice %arg3[%add3A, %mul3A_17, %dma_start3A_56] : memref<32x128x80xi32, #tpu.memory_space<hbm>> -> memref<1x32x80xi32, #tpu.memory_space<hbm>>
        %dma_start3A_58 = tpu.memref_squeeze %dma_start3A_57 : memref<1x32x80xi32, #tpu.memory_space<hbm>> -> memref<32x80xi32, #tpu.memory_space<hbm>>
        tpu.enqueue_dma source(%dma_start3A_58 : memref<32x80xi32, #tpu.memory_space<hbm>>) target(%arg7 : memref<32x80xi32, #tpu.memory_space<vmem>>) target_semaphore(%run_scoped3A : memref<!tpu.dma_semaphore, #tpu.memory_space<semaphore_mem>>)
        %dma_wait3A = arith.constant 0 : i32
        %dma_wait3A_59 = tpu.memref_slice %arg3[%add3A, %mul3A_17, %dma_wait3A] : memref<32x128x80xi32, #tpu.memory_space<hbm>> -> memref<1x32x80xi32, #tpu.memory_space<hbm>>
        %dma_wait3A_60 = tpu.memref_squeeze %dma_wait3A_59 : memref<1x32x80xi32, #tpu.memory_space<hbm>> -> memref<32x80xi32, #tpu.memory_space<hbm>>
        %dma_wait3A_61 = arith.constant 0 : i32
        %dma_wait3A_62 = tpu.memref_slice %arg3[%add3A, %mul3A_17, %dma_wait3A_61] : memref<32x128x80xi32, #tpu.memory_space<hbm>> -> memref<1x32x80xi32, #tpu.memory_space<hbm>>
        %dma_wait3A_63 = tpu.memref_squeeze %dma_wait3A_62 : memref<1x32x80xi32, #tpu.memory_space<hbm>> -> memref<32x80xi32, #tpu.memory_space<hbm>>
        tpu.wait_dma2 semaphore(%run_scoped3A : memref<!tpu.dma_semaphore, #tpu.memory_space<semaphore_mem>>) src(%dma_wait3A_63 : memref<32x80xi32, #tpu.memory_space<hbm>>) dst(%arg7 : memref<32x80xi32, #tpu.memory_space<vmem>>)
        tpu.yield
      }) : () -> ()
      %mul3A_18 = arith.constant 32 : i32
      %mul3A_19 = arith.muli %scan3A_15, %mul3A_18 : i32
      "tpu.region"() ({
        %run_scoped3A = tpu.sem_alloc : memref<!tpu.dma_semaphore, #tpu.memory_space<semaphore_mem>>
        %dma_start3A_53 = arith.constant 0 : i32
        %dma_start3A_54 = tpu.memref_slice %arg4[%add3A, %mul3A_19, %dma_start3A_53] : memref<32x128x80xi32, #tpu.memory_space<hbm>> -> memref<1x32x80xi32, #tpu.memory_space<hbm>>
        %dma_start3A_55 = tpu.memref_squeeze %dma_start3A_54 : memref<1x32x80xi32, #tpu.memory_space<hbm>> -> memref<32x80xi32, #tpu.memory_space<hbm>>
        %dma_start3A_56 = arith.constant 0 : i32
        %dma_start3A_57 = tpu.memref_slice %arg4[%add3A, %mul3A_19, %dma_start3A_56] : memref<32x128x80xi32, #tpu.memory_space<hbm>> -> memref<1x32x80xi32, #tpu.memory_space<hbm>>
        %dma_start3A_58 = tpu.memref_squeeze %dma_start3A_57 : memref<1x32x80xi32, #tpu.memory_space<hbm>> -> memref<32x80xi32, #tpu.memory_space<hbm>>
        tpu.enqueue_dma source(%dma_start3A_58 : memref<32x80xi32, #tpu.memory_space<hbm>>) target(%arg8 : memref<32x80xi32, #tpu.memory_space<vmem>>) target_semaphore(%run_scoped3A : memref<!tpu.dma_semaphore, #tpu.memory_space<semaphore_mem>>)
        %dma_wait3A = arith.constant 0 : i32
        %dma_wait3A_59 = tpu.memref_slice %arg4[%add3A, %mul3A_19, %dma_wait3A] : memref<32x128x80xi32, #tpu.memory_space<hbm>> -> memref<1x32x80xi32, #tpu.memory_space<hbm>>
        %dma_wait3A_60 = tpu.memref_squeeze %dma_wait3A_59 : memref<1x32x80xi32, #tpu.memory_space<hbm>> -> memref<32x80xi32, #tpu.memory_space<hbm>>
        %dma_wait3A_61 = arith.constant 0 : i32
        %dma_wait3A_62 = tpu.memref_slice %arg4[%add3A, %mul3A_19, %dma_wait3A_61] : memref<32x128x80xi32, #tpu.memory_space<hbm>> -> memref<1x32x80xi32, #tpu.memory_space<hbm>>
        %dma_wait3A_63 = tpu.memref_squeeze %dma_wait3A_62 : memref<1x32x80xi32, #tpu.memory_space<hbm>> -> memref<32x80xi32, #tpu.memory_space<hbm>>
        tpu.wait_dma2 semaphore(%run_scoped3A : memref<!tpu.dma_semaphore, #tpu.memory_space<semaphore_mem>>) src(%dma_wait3A_63 : memref<32x80xi32, #tpu.memory_space<hbm>>) dst(%arg8 : memref<32x80xi32, #tpu.memory_space<vmem>>)
        tpu.yield
      }) : () -> ()
      %dma_start3A = arith.constant 0 : i32
      %dma_start3A_20 = arith.constant 0 : i32
      %dma_start3A_21 = tpu.memref_slice %arg7[%dma_start3A, %dma_start3A_20] : memref<32x80xi32, #tpu.memory_space<vmem>> -> memref<1x80xi32, #tpu.memory_space<vmem>>
      %dma_start3A_22 = tpu.memref_squeeze %dma_start3A_21 : memref<1x80xi32, #tpu.memory_space<vmem>> -> memref<80xi32, #tpu.memory_space<vmem>>
      %dma_start3A_23 = arith.constant 0 : i32
      %dma_start3A_24 = arith.constant 0 : i32
      %dma_start3A_25 = tpu.memref_slice %arg2[%dma_start3A_23, %dma_start3A_24] : memref<10000x128xf32, #tpu.memory_space<hbm>> -> memref<10000x128xf32, #tpu.memory_space<hbm>>
      tpu.enqueue_indirect_dma source(%dma_start3A_25 : memref<10000x128xf32, #tpu.memory_space<hbm>>) target(%arg9 : memref<80x128xf32, #tpu.memory_space<vmem>>) offsets(%dma_start3A_22 : memref<80xi32, #tpu.memory_space<vmem>>) semaphore(%arg14 : memref<!tpu.dma_semaphore, #tpu.memory_space<semaphore_mem>>)
      %dma_start3A_26 = arith.constant 1 : i32
      %dma_start3A_27 = arith.constant 0 : i32
      %dma_start3A_28 = tpu.memref_slice %arg7[%dma_start3A_26, %dma_start3A_27] : memref<32x80xi32, #tpu.memory_space<vmem>> -> memref<1x80xi32, #tpu.memory_space<vmem>>
      %dma_start3A_29 = tpu.memref_squeeze %dma_start3A_28 : memref<1x80xi32, #tpu.memory_space<vmem>> -> memref<80xi32, #tpu.memory_space<vmem>>
      %dma_start3A_30 = arith.constant 0 : i32
      %dma_start3A_31 = arith.constant 0 : i32
      %dma_start3A_32 = tpu.memref_slice %arg2[%dma_start3A_30, %dma_start3A_31] : memref<10000x128xf32, #tpu.memory_space<hbm>> -> memref<10000x128xf32, #tpu.memory_space<hbm>>
      tpu.enqueue_indirect_dma source(%dma_start3A_32 : memref<10000x128xf32, #tpu.memory_space<hbm>>) target(%arg10 : memref<80x128xf32, #tpu.memory_space<vmem>>) offsets(%dma_start3A_29 : memref<80xi32, #tpu.memory_space<vmem>>) semaphore(%arg15 : memref<!tpu.dma_semaphore, #tpu.memory_space<semaphore_mem>>)
      %dma_start3A_33 = arith.constant 2 : i32
      %dma_start3A_34 = arith.constant 0 : i32
      %dma_start3A_35 = tpu.memref_slice %arg7[%dma_start3A_33, %dma_start3A_34] : memref<32x80xi32, #tpu.memory_space<vmem>> -> memref<1x80xi32, #tpu.memory_space<vmem>>
      %dma_start3A_36 = tpu.memref_squeeze %dma_start3A_35 : memref<1x80xi32, #tpu.memory_space<vmem>> -> memref<80xi32, #tpu.memory_space<vmem>>
      %dma_start3A_37 = arith.constant 0 : i32
      %dma_start3A_38 = arith.constant 0 : i32
      %dma_start3A_39 = tpu.memref_slice %arg2[%dma_start3A_37, %dma_start3A_38] : memref<10000x128xf32, #tpu.memory_space<hbm>> -> memref<10000x128xf32, #tpu.memory_space<hbm>>
      tpu.enqueue_indirect_dma source(%dma_start3A_39 : memref<10000x128xf32, #tpu.memory_space<hbm>>) target(%arg11 : memref<80x128xf32, #tpu.memory_space<vmem>>) offsets(%dma_start3A_36 : memref<80xi32, #tpu.memory_space<vmem>>) semaphore(%arg16 : memref<!tpu.dma_semaphore, #tpu.memory_space<semaphore_mem>>)
      %dma_start3A_40 = arith.constant 3 : i32
      %dma_start3A_41 = arith.constant 0 : i32
      %dma_start3A_42 = tpu.memref_slice %arg7[%dma_start3A_40, %dma_start3A_41] : memref<32x80xi32, #tpu.memory_space<vmem>> -> memref<1x80xi32, #tpu.memory_space<vmem>>
      %dma_start3A_43 = tpu.memref_squeeze %dma_start3A_42 : memref<1x80xi32, #tpu.memory_space<vmem>> -> memref<80xi32, #tpu.memory_space<vmem>>
      %dma_start3A_44 = arith.constant 0 : i32
      %dma_start3A_45 = arith.constant 0 : i32
      %dma_start3A_46 = tpu.memref_slice %arg2[%dma_start3A_44, %dma_start3A_45] : memref<10000x128xf32, #tpu.memory_space<hbm>> -> memref<10000x128xf32, #tpu.memory_space<hbm>>
      tpu.enqueue_indirect_dma source(%dma_start3A_46 : memref<10000x128xf32, #tpu.memory_space<hbm>>) target(%arg12 : memref<80x128xf32, #tpu.memory_space<vmem>>) offsets(%dma_start3A_43 : memref<80xi32, #tpu.memory_space<vmem>>) semaphore(%arg17 : memref<!tpu.dma_semaphore, #tpu.memory_space<semaphore_mem>>)
      %scan3A_47 = arith.constant 0 : i32
      %scan3A_48 = arith.constant 0 : i32
      %scan3A_49 = arith.constant 8 : i32
      %scan3A_50 = arith.addi %scan3A_48, %scan3A_49 : i32
      %scan3A_51 = arith.constant 1 : i32
      scf.for %scan3A_53 = %scan3A_48 to %scan3A_50 step %scan3A_51  : i32 {
        %mul3A_54 = arith.constant 4 : i32
        %mul3A_55 = arith.muli %mul3A_54, %scan3A_53 : i32
        %dma_wait3A = arith.constant 0 : i32
        %dma_wait3A_56 = arith.constant 0 : i32
        %dma_wait3A_57 = tpu.memref_slice %arg2[%dma_wait3A, %dma_wait3A_56] : memref<10000x128xf32, #tpu.memory_space<hbm>> -> memref<80x128xf32, #tpu.memory_space<hbm>>
        %dma_wait3A_58 = arith.constant 0 : i32
        %dma_wait3A_59 = arith.constant 0 : i32
        %dma_wait3A_60 = tpu.memref_slice %arg2[%dma_wait3A_58, %dma_wait3A_59] : memref<10000x128xf32, #tpu.memory_space<hbm>> -> memref<80x128xf32, #tpu.memory_space<hbm>>
        tpu.wait_dma2 semaphore(%arg14 : memref<!tpu.dma_semaphore, #tpu.memory_space<semaphore_mem>>) src(%dma_wait3A_60 : memref<80x128xf32, #tpu.memory_space<hbm>>) dst(%arg9 : memref<80x128xf32, #tpu.memory_space<vmem>>)
        %add3A_61 = arith.constant 0 : i32
        %add3A_62 = arith.addi %mul3A_55, %add3A_61 : i32
        %dma_start3A_63 = arith.constant 0 : i32
        %dma_start3A_64 = tpu.memref_slice %arg8[%add3A_62, %dma_start3A_63] : memref<32x80xi32, #tpu.memory_space<vmem>> -> memref<1x80xi32, #tpu.memory_space<vmem>>
        %dma_start3A_65 = tpu.memref_squeeze %dma_start3A_64 : memref<1x80xi32, #tpu.memory_space<vmem>> -> memref<80xi32, #tpu.memory_space<vmem>>
        %dma_start3A_66 = arith.constant 0 : i32
        %dma_start3A_67 = arith.constant 0 : i32
        %dma_start3A_68 = tpu.memref_slice %arg13[%dma_start3A_66, %dma_start3A_67] : memref<10240x128xf32, #tpu.memory_space<vmem_shared>> -> memref<10240x128xf32, #tpu.memory_space<vmem_shared>>
        tpu.enqueue_indirect_dma source(%arg9 : memref<80x128xf32, #tpu.memory_space<vmem>>) target(%dma_start3A_68 : memref<10240x128xf32, #tpu.memory_space<vmem_shared>>) offsets(%dma_start3A_65 : memref<80xi32, #tpu.memory_space<vmem>>) semaphore(%arg18 : memref<!tpu.dma_semaphore, #tpu.memory_space<semaphore_mem>>) {add = true}
        %dma_wait3A_69 = arith.constant 0 : i32
        %dma_wait3A_70 = arith.constant 0 : i32
        %dma_wait3A_71 = tpu.memref_slice %arg2[%dma_wait3A_69, %dma_wait3A_70] : memref<10000x128xf32, #tpu.memory_space<hbm>> -> memref<80x128xf32, #tpu.memory_space<hbm>>
        %dma_wait3A_72 = arith.constant 0 : i32
        %dma_wait3A_73 = arith.constant 0 : i32
        %dma_wait3A_74 = tpu.memref_slice %arg2[%dma_wait3A_72, %dma_wait3A_73] : memref<10000x128xf32, #tpu.memory_space<hbm>> -> memref<80x128xf32, #tpu.memory_space<hbm>>
        tpu.wait_dma2 semaphore(%arg15 : memref<!tpu.dma_semaphore, #tpu.memory_space<semaphore_mem>>) src(%dma_wait3A_74 : memref<80x128xf32, #tpu.memory_space<hbm>>) dst(%arg10 : memref<80x128xf32, #tpu.memory_space<vmem>>)
        %add3A_75 = arith.constant 1 : i32
        %add3A_76 = arith.addi %mul3A_55, %add3A_75 : i32
        %dma_start3A_77 = arith.constant 0 : i32
        %dma_start3A_78 = tpu.memref_slice %arg8[%add3A_76, %dma_start3A_77] : memref<32x80xi32, #tpu.memory_space<vmem>> -> memref<1x80xi32, #tpu.memory_space<vmem>>
        %dma_start3A_79 = tpu.memref_squeeze %dma_start3A_78 : memref<1x80xi32, #tpu.memory_space<vmem>> -> memref<80xi32, #tpu.memory_space<vmem>>
        %dma_start3A_80 = arith.constant 0 : i32
        %dma_start3A_81 = arith.constant 0 : i32
        %dma_start3A_82 = tpu.memref_slice %arg13[%dma_start3A_80, %dma_start3A_81] : memref<10240x128xf32, #tpu.memory_space<vmem_shared>> -> memref<10240x128xf32, #tpu.memory_space<vmem_shared>>
        tpu.enqueue_indirect_dma source(%arg10 : memref<80x128xf32, #tpu.memory_space<vmem>>) target(%dma_start3A_82 : memref<10240x128xf32, #tpu.memory_space<vmem_shared>>) offsets(%dma_start3A_79 : memref<80xi32, #tpu.memory_space<vmem>>) semaphore(%arg19 : memref<!tpu.dma_semaphore, #tpu.memory_space<semaphore_mem>>) {add = true}
        %dma_wait3A_83 = arith.constant 0 : i32
        %dma_wait3A_84 = arith.constant 0 : i32
        %dma_wait3A_85 = tpu.memref_slice %arg2[%dma_wait3A_83, %dma_wait3A_84] : memref<10000x128xf32, #tpu.memory_space<hbm>> -> memref<80x128xf32, #tpu.memory_space<hbm>>
        %dma_wait3A_86 = arith.constant 0 : i32
        %dma_wait3A_87 = arith.constant 0 : i32
        %dma_wait3A_88 = tpu.memref_slice %arg2[%dma_wait3A_86, %dma_wait3A_87] : memref<10000x128xf32, #tpu.memory_space<hbm>> -> memref<80x128xf32, #tpu.memory_space<hbm>>
        tpu.wait_dma2 semaphore(%arg16 : memref<!tpu.dma_semaphore, #tpu.memory_space<semaphore_mem>>) src(%dma_wait3A_88 : memref<80x128xf32, #tpu.memory_space<hbm>>) dst(%arg11 : memref<80x128xf32, #tpu.memory_space<vmem>>)
        %add3A_89 = arith.constant 2 : i32
        %add3A_90 = arith.addi %mul3A_55, %add3A_89 : i32
        %dma_start3A_91 = arith.constant 0 : i32
        %dma_start3A_92 = tpu.memref_slice %arg8[%add3A_90, %dma_start3A_91] : memref<32x80xi32, #tpu.memory_space<vmem>> -> memref<1x80xi32, #tpu.memory_space<vmem>>
        %dma_start3A_93 = tpu.memref_squeeze %dma_start3A_92 : memref<1x80xi32, #tpu.memory_space<vmem>> -> memref<80xi32, #tpu.memory_space<vmem>>
        %dma_start3A_94 = arith.constant 0 : i32
        %dma_start3A_95 = arith.constant 0 : i32
        %dma_start3A_96 = tpu.memref_slice %arg13[%dma_start3A_94, %dma_start3A_95] : memref<10240x128xf32, #tpu.memory_space<vmem_shared>> -> memref<10240x128xf32, #tpu.memory_space<vmem_shared>>
        tpu.enqueue_indirect_dma source(%arg11 : memref<80x128xf32, #tpu.memory_space<vmem>>) target(%dma_start3A_96 : memref<10240x128xf32, #tpu.memory_space<vmem_shared>>) offsets(%dma_start3A_93 : memref<80xi32, #tpu.memory_space<vmem>>) semaphore(%arg20 : memref<!tpu.dma_semaphore, #tpu.memory_space<semaphore_mem>>) {add = true}
        %dma_wait3A_97 = arith.constant 0 : i32
        %dma_wait3A_98 = arith.constant 0 : i32
        %dma_wait3A_99 = tpu.memref_slice %arg2[%dma_wait3A_97, %dma_wait3A_98] : memref<10000x128xf32, #tpu.memory_space<hbm>> -> memref<80x128xf32, #tpu.memory_space<hbm>>
        %dma_wait3A_100 = arith.constant 0 : i32
        %dma_wait3A_101 = arith.constant 0 : i32
        %dma_wait3A_102 = tpu.memref_slice %arg2[%dma_wait3A_100, %dma_wait3A_101] : memref<10000x128xf32, #tpu.memory_space<hbm>> -> memref<80x128xf32, #tpu.memory_space<hbm>>
        tpu.wait_dma2 semaphore(%arg17 : memref<!tpu.dma_semaphore, #tpu.memory_space<semaphore_mem>>) src(%dma_wait3A_102 : memref<80x128xf32, #tpu.memory_space<hbm>>) dst(%arg12 : memref<80x128xf32, #tpu.memory_space<vmem>>)
        %add3A_103 = arith.constant 3 : i32
        %add3A_104 = arith.addi %mul3A_55, %add3A_103 : i32
        %dma_start3A_105 = arith.constant 0 : i32
        %dma_start3A_106 = tpu.memref_slice %arg8[%add3A_104, %dma_start3A_105] : memref<32x80xi32, #tpu.memory_space<vmem>> -> memref<1x80xi32, #tpu.memory_space<vmem>>
        %dma_start3A_107 = tpu.memref_squeeze %dma_start3A_106 : memref<1x80xi32, #tpu.memory_space<vmem>> -> memref<80xi32, #tpu.memory_space<vmem>>
        %dma_start3A_108 = arith.constant 0 : i32
        %dma_start3A_109 = arith.constant 0 : i32
        %dma_start3A_110 = tpu.memref_slice %arg13[%dma_start3A_108, %dma_start3A_109] : memref<10240x128xf32, #tpu.memory_space<vmem_shared>> -> memref<10240x128xf32, #tpu.memory_space<vmem_shared>>
        tpu.enqueue_indirect_dma source(%arg12 : memref<80x128xf32, #tpu.memory_space<vmem>>) target(%dma_start3A_110 : memref<10240x128xf32, #tpu.memory_space<vmem_shared>>) offsets(%dma_start3A_107 : memref<80xi32, #tpu.memory_space<vmem>>) semaphore(%arg21 : memref<!tpu.dma_semaphore, #tpu.memory_space<semaphore_mem>>) {add = true}
        %dma_wait3A_111 = arith.constant 0 : i32
        %dma_wait3A_112 = arith.constant 0 : i32
        %dma_wait3A_113 = tpu.memref_slice %arg13[%dma_wait3A_111, %dma_wait3A_112] : memref<10240x128xf32, #tpu.memory_space<vmem_shared>> -> memref<80x128xf32, #tpu.memory_space<vmem_shared>>
        %dma_wait3A_114 = arith.constant 0 : i32
        %dma_wait3A_115 = arith.constant 0 : i32
        %dma_wait3A_116 = tpu.memref_slice %arg13[%dma_wait3A_114, %dma_wait3A_115] : memref<10240x128xf32, #tpu.memory_space<vmem_shared>> -> memref<80x128xf32, #tpu.memory_space<vmem_shared>>
        tpu.wait_dma2 semaphore(%arg18 : memref<!tpu.dma_semaphore, #tpu.memory_space<semaphore_mem>>) src(%arg9 : memref<80x128xf32, #tpu.memory_space<vmem>>) dst(%dma_wait3A_116 : memref<80x128xf32, #tpu.memory_space<vmem_shared>>)
        %add3A_117 = arith.constant 1 : i32
        %add3A_118 = arith.addi %scan3A_53, %add3A_117 : i32
        %lt3A = arith.constant 8 : i32
        %lt3A_119 = arith.cmpi slt, %add3A_118, %lt3A : i32
        %convert_element_type3A = arith.extui %lt3A_119 : i1 to i32
        %cond3A = arith.constant 0 : i32
        %cond3A_120 = arith.cmpi ne, %convert_element_type3A, %cond3A : i32
        scf.if %cond3A_120 {
          %add3A_160 = arith.constant 4 : i32
          %add3A_161 = arith.addi %mul3A_55, %add3A_160 : i32
          %add3A_162 = arith.constant 0 : i32
          %add3A_163 = arith.addi %add3A_161, %add3A_162 : i32
          %dma_start3A_164 = arith.constant 0 : i32
          %dma_start3A_165 = tpu.memref_slice %arg7[%add3A_163, %dma_start3A_164] : memref<32x80xi32, #tpu.memory_space<vmem>> -> memref<1x80xi32, #tpu.memory_space<vmem>>
          %dma_start3A_166 = tpu.memref_squeeze %dma_start3A_165 : memref<1x80xi32, #tpu.memory_space<vmem>> -> memref<80xi32, #tpu.memory_space<vmem>>
          %dma_start3A_167 = arith.constant 0 : i32
          %dma_start3A_168 = arith.constant 0 : i32
          %dma_start3A_169 = tpu.memref_slice %arg2[%dma_start3A_167, %dma_start3A_168] : memref<10000x128xf32, #tpu.memory_space<hbm>> -> memref<10000x128xf32, #tpu.memory_space<hbm>>
          tpu.enqueue_indirect_dma source(%dma_start3A_169 : memref<10000x128xf32, #tpu.memory_space<hbm>>) target(%arg9 : memref<80x128xf32, #tpu.memory_space<vmem>>) offsets(%dma_start3A_166 : memref<80xi32, #tpu.memory_space<vmem>>) semaphore(%arg14 : memref<!tpu.dma_semaphore, #tpu.memory_space<semaphore_mem>>)
        } else {
        }
        %dma_wait3A_121 = arith.constant 0 : i32
        %dma_wait3A_122 = arith.constant 0 : i32
        %dma_wait3A_123 = tpu.memref_slice %arg13[%dma_wait3A_121, %dma_wait3A_122] : memref<10240x128xf32, #tpu.memory_space<vmem_shared>> -> memref<80x128xf32, #tpu.memory_space<vmem_shared>>
        %dma_wait3A_124 = arith.constant 0 : i32
        %dma_wait3A_125 = arith.constant 0 : i32
        %dma_wait3A_126 = tpu.memref_slice %arg13[%dma_wait3A_124, %dma_wait3A_125] : memref<10240x128xf32, #tpu.memory_space<vmem_shared>> -> memref<80x128xf32, #tpu.memory_space<vmem_shared>>
        tpu.wait_dma2 semaphore(%arg19 : memref<!tpu.dma_semaphore, #tpu.memory_space<semaphore_mem>>) src(%arg10 : memref<80x128xf32, #tpu.memory_space<vmem>>) dst(%dma_wait3A_126 : memref<80x128xf32, #tpu.memory_space<vmem_shared>>)
        %add3A_127 = arith.constant 1 : i32
        %add3A_128 = arith.addi %scan3A_53, %add3A_127 : i32
        %lt3A_129 = arith.constant 8 : i32
        %lt3A_130 = arith.cmpi slt, %add3A_128, %lt3A_129 : i32
        %convert_element_type3A_131 = arith.extui %lt3A_130 : i1 to i32
        %cond3A_132 = arith.constant 0 : i32
        %cond3A_133 = arith.cmpi ne, %convert_element_type3A_131, %cond3A_132 : i32
        scf.if %cond3A_133 {
          %add3A_160 = arith.constant 4 : i32
          %add3A_161 = arith.addi %mul3A_55, %add3A_160 : i32
          %add3A_162 = arith.constant 1 : i32
          %add3A_163 = arith.addi %add3A_161, %add3A_162 : i32
          %dma_start3A_164 = arith.constant 0 : i32
          %dma_start3A_165 = tpu.memref_slice %arg7[%add3A_163, %dma_start3A_164] : memref<32x80xi32, #tpu.memory_space<vmem>> -> memref<1x80xi32, #tpu.memory_space<vmem>>
          %dma_start3A_166 = tpu.memref_squeeze %dma_start3A_165 : memref<1x80xi32, #tpu.memory_space<vmem>> -> memref<80xi32, #tpu.memory_space<vmem>>
          %dma_start3A_167 = arith.constant 0 : i32
          %dma_start3A_168 = arith.constant 0 : i32
          %dma_start3A_169 = tpu.memref_slice %arg2[%dma_start3A_167, %dma_start3A_168] : memref<10000x128xf32, #tpu.memory_space<hbm>> -> memref<10000x128xf32, #tpu.memory_space<hbm>>
          tpu.enqueue_indirect_dma source(%dma_start3A_169 : memref<10000x128xf32, #tpu.memory_space<hbm>>) target(%arg10 : memref<80x128xf32, #tpu.memory_space<vmem>>) offsets(%dma_start3A_166 : memref<80xi32, #tpu.memory_space<vmem>>) semaphore(%arg15 : memref<!tpu.dma_semaphore, #tpu.memory_space<semaphore_mem>>)
        } else {
        }
        %dma_wait3A_134 = arith.constant 0 : i32
        %dma_wait3A_135 = arith.constant 0 : i32
        %dma_wait3A_136 = tpu.memref_slice %arg13[%dma_wait3A_134, %dma_wait3A_135] : memref<10240x128xf32, #tpu.memory_space<vmem_shared>> -> memref<80x128xf32, #tpu.memory_space<vmem_shared>>
        %dma_wait3A_137 = arith.constant 0 : i32
        %dma_wait3A_138 = arith.constant 0 : i32
        %dma_wait3A_139 = tpu.memref_slice %arg13[%dma_wait3A_137, %dma_wait3A_138] : memref<10240x128xf32, #tpu.memory_space<vmem_shared>> -> memref<80x128xf32, #tpu.memory_space<vmem_shared>>
        tpu.wait_dma2 semaphore(%arg20 : memref<!tpu.dma_semaphore, #tpu.memory_space<semaphore_mem>>) src(%arg11 : memref<80x128xf32, #tpu.memory_space<vmem>>) dst(%dma_wait3A_139 : memref<80x128xf32, #tpu.memory_space<vmem_shared>>)
        %add3A_140 = arith.constant 1 : i32
        %add3A_141 = arith.addi %scan3A_53, %add3A_140 : i32
        %lt3A_142 = arith.constant 8 : i32
        %lt3A_143 = arith.cmpi slt, %add3A_141, %lt3A_142 : i32
        %convert_element_type3A_144 = arith.extui %lt3A_143 : i1 to i32
        %cond3A_145 = arith.constant 0 : i32
        %cond3A_146 = arith.cmpi ne, %convert_element_type3A_144, %cond3A_145 : i32
        scf.if %cond3A_146 {
          %add3A_160 = arith.constant 4 : i32
          %add3A_161 = arith.addi %mul3A_55, %add3A_160 : i32
          %add3A_162 = arith.constant 2 : i32
          %add3A_163 = arith.addi %add3A_161, %add3A_162 : i32
          %dma_start3A_164 = arith.constant 0 : i32
          %dma_start3A_165 = tpu.memref_slice %arg7[%add3A_163, %dma_start3A_164] : memref<32x80xi32, #tpu.memory_space<vmem>> -> memref<1x80xi32, #tpu.memory_space<vmem>>
          %dma_start3A_166 = tpu.memref_squeeze %dma_start3A_165 : memref<1x80xi32, #tpu.memory_space<vmem>> -> memref<80xi32, #tpu.memory_space<vmem>>
          %dma_start3A_167 = arith.constant 0 : i32
          %dma_start3A_168 = arith.constant 0 : i32
          %dma_start3A_169 = tpu.memref_slice %arg2[%dma_start3A_167, %dma_start3A_168] : memref<10000x128xf32, #tpu.memory_space<hbm>> -> memref<10000x128xf32, #tpu.memory_space<hbm>>
          tpu.enqueue_indirect_dma source(%dma_start3A_169 : memref<10000x128xf32, #tpu.memory_space<hbm>>) target(%arg11 : memref<80x128xf32, #tpu.memory_space<vmem>>) offsets(%dma_start3A_166 : memref<80xi32, #tpu.memory_space<vmem>>) semaphore(%arg16 : memref<!tpu.dma_semaphore, #tpu.memory_space<semaphore_mem>>)
        } else {
        }
        %dma_wait3A_147 = arith.constant 0 : i32
        %dma_wait3A_148 = arith.constant 0 : i32
        %dma_wait3A_149 = tpu.memref_slice %arg13[%dma_wait3A_147, %dma_wait3A_148] : memref<10240x128xf32, #tpu.memory_space<vmem_shared>> -> memref<80x128xf32, #tpu.memory_space<vmem_shared>>
        %dma_wait3A_150 = arith.constant 0 : i32
        %dma_wait3A_151 = arith.constant 0 : i32
        %dma_wait3A_152 = tpu.memref_slice %arg13[%dma_wait3A_150, %dma_wait3A_151] : memref<10240x128xf32, #tpu.memory_space<vmem_shared>> -> memref<80x128xf32, #tpu.memory_space<vmem_shared>>
        tpu.wait_dma2 semaphore(%arg21 : memref<!tpu.dma_semaphore, #tpu.memory_space<semaphore_mem>>) src(%arg12 : memref<80x128xf32, #tpu.memory_space<vmem>>) dst(%dma_wait3A_152 : memref<80x128xf32, #tpu.memory_space<vmem_shared>>)
        %add3A_153 = arith.constant 1 : i32
        %add3A_154 = arith.addi %scan3A_53, %add3A_153 : i32
        %lt3A_155 = arith.constant 8 : i32
        %lt3A_156 = arith.cmpi slt, %add3A_154, %lt3A_155 : i32
        %convert_element_type3A_157 = arith.extui %lt3A_156 : i1 to i32
        %cond3A_158 = arith.constant 0 : i32
        %cond3A_159 = arith.cmpi ne, %convert_element_type3A_157, %cond3A_158 : i32
        scf.if %cond3A_159 {
          %add3A_160 = arith.constant 4 : i32
          %add3A_161 = arith.addi %mul3A_55, %add3A_160 : i32
          %add3A_162 = arith.constant 3 : i32
          %add3A_163 = arith.addi %add3A_161, %add3A_162 : i32
          %dma_start3A_164 = arith.constant 0 : i32
          %dma_start3A_165 = tpu.memref_slice %arg7[%add3A_163, %dma_start3A_164] : memref<32x80xi32, #tpu.memory_space<vmem>> -> memref<1x80xi32, #tpu.memory_space<vmem>>
          %dma_start3A_166 = tpu.memref_squeeze %dma_start3A_165 : memref<1x80xi32, #tpu.memory_space<vmem>> -> memref<80xi32, #tpu.memory_space<vmem>>
          %dma_start3A_167 = arith.constant 0 : i32
          %dma_start3A_168 = arith.constant 0 : i32
          %dma_start3A_169 = tpu.memref_slice %arg2[%dma_start3A_167, %dma_start3A_168] : memref<10000x128xf32, #tpu.memory_space<hbm>> -> memref<10000x128xf32, #tpu.memory_space<hbm>>
          tpu.enqueue_indirect_dma source(%dma_start3A_169 : memref<10000x128xf32, #tpu.memory_space<hbm>>) target(%arg12 : memref<80x128xf32, #tpu.memory_space<vmem>>) offsets(%dma_start3A_166 : memref<80xi32, #tpu.memory_space<vmem>>) semaphore(%arg17 : memref<!tpu.dma_semaphore, #tpu.memory_space<semaphore_mem>>)
        } else {
        }
      }
      %scan3A_52 = arith.constant 8 : i32
    }
    %scan3A_9 = arith.constant 4 : i32
    %barrier3A_10 = arith.constant 0 : index
    tpu.barrier barrier_id(%barrier3A_10)
    %mul3A_11 = arith.constant 640 : i32
    %mul3A_12 = arith.muli %arg1, %mul3A_11 : i32
    %mul3A_13 = arith.constant 640 : i32
    %mul3A_14 = arith.muli %arg1, %mul3A_13 : i32
    "tpu.region"() ({
      %run_scoped3A = tpu.sem_alloc : memref<!tpu.dma_semaphore, #tpu.memory_space<semaphore_mem>>
      %dma_start3A = arith.constant 0 : i32
      %dma_start3A_15 = tpu.memref_slice %arg6[%arg0, %mul3A_14, %dma_start3A] : memref<2x10240x128xf32, #tpu.memory_space<hbm>> -> memref<1x640x128xf32, #tpu.memory_space<hbm>>
      %dma_start3A_16 = tpu.memref_squeeze %dma_start3A_15 : memref<1x640x128xf32, #tpu.memory_space<hbm>> -> memref<640x128xf32, #tpu.memory_space<hbm>>
      %dma_start3A_17 = arith.constant 0 : i32
      %dma_start3A_18 = tpu.memref_slice %arg13[%mul3A_12, %dma_start3A_17] : memref<10240x128xf32, #tpu.memory_space<vmem_shared>> -> memref<640x128xf32, #tpu.memory_space<vmem_shared>>
      tpu.enqueue_dma source(%dma_start3A_18 : memref<640x128xf32, #tpu.memory_space<vmem_shared>>) target(%dma_start3A_16 : memref<640x128xf32, #tpu.memory_space<hbm>>) target_semaphore(%run_scoped3A : memref<!tpu.dma_semaphore, #tpu.memory_space<semaphore_mem>>)
      %dma_wait3A = arith.constant 0 : i32
      %dma_wait3A_19 = tpu.memref_slice %arg6[%arg0, %mul3A_14, %dma_wait3A] : memref<2x10240x128xf32, #tpu.memory_space<hbm>> -> memref<1x640x128xf32, #tpu.memory_space<hbm>>
      %dma_wait3A_20 = tpu.memref_squeeze %dma_wait3A_19 : memref<1x640x128xf32, #tpu.memory_space<hbm>> -> memref<640x128xf32, #tpu.memory_space<hbm>>
      %dma_wait3A_21 = arith.constant 0 : i32
      %dma_wait3A_22 = tpu.memref_slice %arg13[%mul3A_12, %dma_wait3A_21] : memref<10240x128xf32, #tpu.memory_space<vmem_shared>> -> memref<640x128xf32, #tpu.memory_space<vmem_shared>>
      tpu.wait_dma2 semaphore(%run_scoped3A : memref<!tpu.dma_semaphore, #tpu.memory_space<semaphore_mem>>) src(%dma_wait3A_22 : memref<640x128xf32, #tpu.memory_space<vmem_shared>>) dst(%dma_wait3A_20 : memref<640x128xf32, #tpu.memory_space<hbm>>)
      tpu.yield
    }) : () -> ()
    return
  }
}

#map = affine_map<(d0, d1) -> (0, 0)>
#map1 = affine_map<(d0, d1) -> (0, 0, 0)>
module attributes {stable_mosaic.version = 14 : i64} {
  func.func @agg_kernel(%arg0: i32, %arg1: i32, %arg2: memref<10000x64xf32, #tpu.memory_space<hbm>>, %arg3: memref<32x128x80xi32, #tpu.memory_space<hbm>>, %arg4: memref<32x128x80xi32, #tpu.memory_space<hbm>>, %arg5: memref<10240x64xf32, #tpu.memory_space<hbm>>, %arg6: memref<2x10240x64xf32, #tpu.memory_space<hbm>>, %arg7: memref<32x80xi32, #tpu.memory_space<vmem>>, %arg8: memref<32x80xi32, #tpu.memory_space<vmem>>, %arg9: memref<80x64xf32, #tpu.memory_space<vmem>>, %arg10: memref<80x64xf32, #tpu.memory_space<vmem>>, %arg11: memref<80x64xf32, #tpu.memory_space<vmem>>, %arg12: memref<80x64xf32, #tpu.memory_space<vmem>>, %arg13: memref<10240x64xf32, #tpu.memory_space<vmem_shared>>, %arg14: memref<!tpu.dma_semaphore, #tpu.memory_space<semaphore_mem>>, %arg15: memref<!tpu.dma_semaphore, #tpu.memory_space<semaphore_mem>>, %arg16: memref<!tpu.dma_semaphore, #tpu.memory_space<semaphore_mem>>, %arg17: memref<!tpu.dma_semaphore, #tpu.memory_space<semaphore_mem>>, %arg18: memref<!tpu.dma_semaphore, #tpu.memory_space<semaphore_mem>>, %arg19: memref<!tpu.dma_semaphore, #tpu.memory_space<semaphore_mem>>, %arg20: memref<!tpu.dma_semaphore, #tpu.memory_space<semaphore_mem>>, %arg21: memref<!tpu.dma_semaphore, #tpu.memory_space<semaphore_mem>>) attributes {dimension_semantics = [#tpu.dimension_semantics<core_parallel>, #tpu.dimension_semantics<subcore_parallel>], iteration_bounds = array<i64: 2, 16>, scalar_prefetch = 0 : i64, scratch_operands = 15 : i64, tpu.core_type = #tpu.core_type<sc_vector_subcore>, window_params = [{transform_indices = #map}, {transform_indices = #map1}, {transform_indices = #map1}, {transform_indices = #map}, {transform_indices = #map1}]} {
    %mul3A = arith.constant 16 : i32
    %mul3A_0 = arith.muli %arg0, %mul3A : i32
    %add3A = arith.addi %mul3A_0, %arg1 : i32
    %mul3A_1 = arith.constant 640 : i32
    %mul3A_2 = arith.muli %arg1, %mul3A_1 : i32
    %mul3A_3 = arith.constant 640 : i32
    %mul3A_4 = arith.muli %arg1, %mul3A_3 : i32
    "tpu.region"() ({
      %run_scoped3A = tpu.sem_alloc : memref<!tpu.dma_semaphore, #tpu.memory_space<semaphore_mem>>
      %dma_start3A = arith.constant 0 : i32
      %dma_start3A_15 = tpu.memref_slice %arg13[%mul3A_4, %dma_start3A] : memref<10240x64xf32, #tpu.memory_space<vmem_shared>> -> memref<640x64xf32, #tpu.memory_space<vmem_shared>>
      %dma_start3A_16 = arith.constant 0 : i32
      %dma_start3A_17 = tpu.memref_slice %arg5[%mul3A_2, %dma_start3A_16] : memref<10240x64xf32, #tpu.memory_space<hbm>> -> memref<640x64xf32, #tpu.memory_space<hbm>>
      tpu.enqueue_dma source(%dma_start3A_17 : memref<640x64xf32, #tpu.memory_space<hbm>>) target(%dma_start3A_15 : memref<640x64xf32, #tpu.memory_space<vmem_shared>>) target_semaphore(%run_scoped3A : memref<!tpu.dma_semaphore, #tpu.memory_space<semaphore_mem>>)
      %dma_wait3A = arith.constant 0 : i32
      %dma_wait3A_18 = tpu.memref_slice %arg13[%mul3A_4, %dma_wait3A] : memref<10240x64xf32, #tpu.memory_space<vmem_shared>> -> memref<640x64xf32, #tpu.memory_space<vmem_shared>>
      %dma_wait3A_19 = arith.constant 0 : i32
      %dma_wait3A_20 = tpu.memref_slice %arg5[%mul3A_2, %dma_wait3A_19] : memref<10240x64xf32, #tpu.memory_space<hbm>> -> memref<640x64xf32, #tpu.memory_space<hbm>>
      tpu.wait_dma2 semaphore(%run_scoped3A : memref<!tpu.dma_semaphore, #tpu.memory_space<semaphore_mem>>) src(%dma_wait3A_20 : memref<640x64xf32, #tpu.memory_space<hbm>>) dst(%dma_wait3A_18 : memref<640x64xf32, #tpu.memory_space<vmem_shared>>)
      tpu.yield
    }) : () -> ()
    %barrier3A = arith.constant 0 : index
    tpu.barrier barrier_id(%barrier3A)
    %scan3A = arith.constant 0 : i32
    %scan3A_5 = arith.constant 0 : i32
    %scan3A_6 = arith.constant 4 : i32
    %scan3A_7 = arith.addi %scan3A_5, %scan3A_6 : i32
    %scan3A_8 = arith.constant 1 : i32
    scf.for %scan3A_15 = %scan3A_5 to %scan3A_7 step %scan3A_8  : i32 {
      %mul3A_16 = arith.constant 32 : i32
      %mul3A_17 = arith.muli %scan3A_15, %mul3A_16 : i32
      "tpu.region"() ({
        %run_scoped3A = tpu.sem_alloc : memref<!tpu.dma_semaphore, #tpu.memory_space<semaphore_mem>>
        %dma_start3A_53 = arith.constant 0 : i32
        %dma_start3A_54 = tpu.memref_slice %arg3[%add3A, %mul3A_17, %dma_start3A_53] : memref<32x128x80xi32, #tpu.memory_space<hbm>> -> memref<1x32x80xi32, #tpu.memory_space<hbm>>
        %dma_start3A_55 = tpu.memref_squeeze %dma_start3A_54 : memref<1x32x80xi32, #tpu.memory_space<hbm>> -> memref<32x80xi32, #tpu.memory_space<hbm>>
        %dma_start3A_56 = arith.constant 0 : i32
        %dma_start3A_57 = tpu.memref_slice %arg3[%add3A, %mul3A_17, %dma_start3A_56] : memref<32x128x80xi32, #tpu.memory_space<hbm>> -> memref<1x32x80xi32, #tpu.memory_space<hbm>>
        %dma_start3A_58 = tpu.memref_squeeze %dma_start3A_57 : memref<1x32x80xi32, #tpu.memory_space<hbm>> -> memref<32x80xi32, #tpu.memory_space<hbm>>
        tpu.enqueue_dma source(%dma_start3A_58 : memref<32x80xi32, #tpu.memory_space<hbm>>) target(%arg7 : memref<32x80xi32, #tpu.memory_space<vmem>>) target_semaphore(%run_scoped3A : memref<!tpu.dma_semaphore, #tpu.memory_space<semaphore_mem>>)
        %dma_wait3A = arith.constant 0 : i32
        %dma_wait3A_59 = tpu.memref_slice %arg3[%add3A, %mul3A_17, %dma_wait3A] : memref<32x128x80xi32, #tpu.memory_space<hbm>> -> memref<1x32x80xi32, #tpu.memory_space<hbm>>
        %dma_wait3A_60 = tpu.memref_squeeze %dma_wait3A_59 : memref<1x32x80xi32, #tpu.memory_space<hbm>> -> memref<32x80xi32, #tpu.memory_space<hbm>>
        %dma_wait3A_61 = arith.constant 0 : i32
        %dma_wait3A_62 = tpu.memref_slice %arg3[%add3A, %mul3A_17, %dma_wait3A_61] : memref<32x128x80xi32, #tpu.memory_space<hbm>> -> memref<1x32x80xi32, #tpu.memory_space<hbm>>
        %dma_wait3A_63 = tpu.memref_squeeze %dma_wait3A_62 : memref<1x32x80xi32, #tpu.memory_space<hbm>> -> memref<32x80xi32, #tpu.memory_space<hbm>>
        tpu.wait_dma2 semaphore(%run_scoped3A : memref<!tpu.dma_semaphore, #tpu.memory_space<semaphore_mem>>) src(%dma_wait3A_63 : memref<32x80xi32, #tpu.memory_space<hbm>>) dst(%arg7 : memref<32x80xi32, #tpu.memory_space<vmem>>)
        tpu.yield
      }) : () -> ()
      %mul3A_18 = arith.constant 32 : i32
      %mul3A_19 = arith.muli %scan3A_15, %mul3A_18 : i32
      "tpu.region"() ({
        %run_scoped3A = tpu.sem_alloc : memref<!tpu.dma_semaphore, #tpu.memory_space<semaphore_mem>>
        %dma_start3A_53 = arith.constant 0 : i32
        %dma_start3A_54 = tpu.memref_slice %arg4[%add3A, %mul3A_19, %dma_start3A_53] : memref<32x128x80xi32, #tpu.memory_space<hbm>> -> memref<1x32x80xi32, #tpu.memory_space<hbm>>
        %dma_start3A_55 = tpu.memref_squeeze %dma_start3A_54 : memref<1x32x80xi32, #tpu.memory_space<hbm>> -> memref<32x80xi32, #tpu.memory_space<hbm>>
        %dma_start3A_56 = arith.constant 0 : i32
        %dma_start3A_57 = tpu.memref_slice %arg4[%add3A, %mul3A_19, %dma_start3A_56] : memref<32x128x80xi32, #tpu.memory_space<hbm>> -> memref<1x32x80xi32, #tpu.memory_space<hbm>>
        %dma_start3A_58 = tpu.memref_squeeze %dma_start3A_57 : memref<1x32x80xi32, #tpu.memory_space<hbm>> -> memref<32x80xi32, #tpu.memory_space<hbm>>
        tpu.enqueue_dma source(%dma_start3A_58 : memref<32x80xi32, #tpu.memory_space<hbm>>) target(%arg8 : memref<32x80xi32, #tpu.memory_space<vmem>>) target_semaphore(%run_scoped3A : memref<!tpu.dma_semaphore, #tpu.memory_space<semaphore_mem>>)
        %dma_wait3A = arith.constant 0 : i32
        %dma_wait3A_59 = tpu.memref_slice %arg4[%add3A, %mul3A_19, %dma_wait3A] : memref<32x128x80xi32, #tpu.memory_space<hbm>> -> memref<1x32x80xi32, #tpu.memory_space<hbm>>
        %dma_wait3A_60 = tpu.memref_squeeze %dma_wait3A_59 : memref<1x32x80xi32, #tpu.memory_space<hbm>> -> memref<32x80xi32, #tpu.memory_space<hbm>>
        %dma_wait3A_61 = arith.constant 0 : i32
        %dma_wait3A_62 = tpu.memref_slice %arg4[%add3A, %mul3A_19, %dma_wait3A_61] : memref<32x128x80xi32, #tpu.memory_space<hbm>> -> memref<1x32x80xi32, #tpu.memory_space<hbm>>
        %dma_wait3A_63 = tpu.memref_squeeze %dma_wait3A_62 : memref<1x32x80xi32, #tpu.memory_space<hbm>> -> memref<32x80xi32, #tpu.memory_space<hbm>>
        tpu.wait_dma2 semaphore(%run_scoped3A : memref<!tpu.dma_semaphore, #tpu.memory_space<semaphore_mem>>) src(%dma_wait3A_63 : memref<32x80xi32, #tpu.memory_space<hbm>>) dst(%arg8 : memref<32x80xi32, #tpu.memory_space<vmem>>)
        tpu.yield
      }) : () -> ()
      %dma_start3A = arith.constant 0 : i32
      %dma_start3A_20 = arith.constant 0 : i32
      %dma_start3A_21 = tpu.memref_slice %arg7[%dma_start3A, %dma_start3A_20] : memref<32x80xi32, #tpu.memory_space<vmem>> -> memref<1x80xi32, #tpu.memory_space<vmem>>
      %dma_start3A_22 = tpu.memref_squeeze %dma_start3A_21 : memref<1x80xi32, #tpu.memory_space<vmem>> -> memref<80xi32, #tpu.memory_space<vmem>>
      %dma_start3A_23 = arith.constant 0 : i32
      %dma_start3A_24 = arith.constant 0 : i32
      %dma_start3A_25 = tpu.memref_slice %arg2[%dma_start3A_23, %dma_start3A_24] : memref<10000x64xf32, #tpu.memory_space<hbm>> -> memref<10000x64xf32, #tpu.memory_space<hbm>>
      tpu.enqueue_indirect_dma source(%dma_start3A_25 : memref<10000x64xf32, #tpu.memory_space<hbm>>) target(%arg9 : memref<80x64xf32, #tpu.memory_space<vmem>>) offsets(%dma_start3A_22 : memref<80xi32, #tpu.memory_space<vmem>>) semaphore(%arg14 : memref<!tpu.dma_semaphore, #tpu.memory_space<semaphore_mem>>)
      %dma_start3A_26 = arith.constant 1 : i32
      %dma_start3A_27 = arith.constant 0 : i32
      %dma_start3A_28 = tpu.memref_slice %arg7[%dma_start3A_26, %dma_start3A_27] : memref<32x80xi32, #tpu.memory_space<vmem>> -> memref<1x80xi32, #tpu.memory_space<vmem>>
      %dma_start3A_29 = tpu.memref_squeeze %dma_start3A_28 : memref<1x80xi32, #tpu.memory_space<vmem>> -> memref<80xi32, #tpu.memory_space<vmem>>
      %dma_start3A_30 = arith.constant 0 : i32
      %dma_start3A_31 = arith.constant 0 : i32
      %dma_start3A_32 = tpu.memref_slice %arg2[%dma_start3A_30, %dma_start3A_31] : memref<10000x64xf32, #tpu.memory_space<hbm>> -> memref<10000x64xf32, #tpu.memory_space<hbm>>
      tpu.enqueue_indirect_dma source(%dma_start3A_32 : memref<10000x64xf32, #tpu.memory_space<hbm>>) target(%arg10 : memref<80x64xf32, #tpu.memory_space<vmem>>) offsets(%dma_start3A_29 : memref<80xi32, #tpu.memory_space<vmem>>) semaphore(%arg15 : memref<!tpu.dma_semaphore, #tpu.memory_space<semaphore_mem>>)
      %dma_start3A_33 = arith.constant 2 : i32
      %dma_start3A_34 = arith.constant 0 : i32
      %dma_start3A_35 = tpu.memref_slice %arg7[%dma_start3A_33, %dma_start3A_34] : memref<32x80xi32, #tpu.memory_space<vmem>> -> memref<1x80xi32, #tpu.memory_space<vmem>>
      %dma_start3A_36 = tpu.memref_squeeze %dma_start3A_35 : memref<1x80xi32, #tpu.memory_space<vmem>> -> memref<80xi32, #tpu.memory_space<vmem>>
      %dma_start3A_37 = arith.constant 0 : i32
      %dma_start3A_38 = arith.constant 0 : i32
      %dma_start3A_39 = tpu.memref_slice %arg2[%dma_start3A_37, %dma_start3A_38] : memref<10000x64xf32, #tpu.memory_space<hbm>> -> memref<10000x64xf32, #tpu.memory_space<hbm>>
      tpu.enqueue_indirect_dma source(%dma_start3A_39 : memref<10000x64xf32, #tpu.memory_space<hbm>>) target(%arg11 : memref<80x64xf32, #tpu.memory_space<vmem>>) offsets(%dma_start3A_36 : memref<80xi32, #tpu.memory_space<vmem>>) semaphore(%arg16 : memref<!tpu.dma_semaphore, #tpu.memory_space<semaphore_mem>>)
      %dma_start3A_40 = arith.constant 3 : i32
      %dma_start3A_41 = arith.constant 0 : i32
      %dma_start3A_42 = tpu.memref_slice %arg7[%dma_start3A_40, %dma_start3A_41] : memref<32x80xi32, #tpu.memory_space<vmem>> -> memref<1x80xi32, #tpu.memory_space<vmem>>
      %dma_start3A_43 = tpu.memref_squeeze %dma_start3A_42 : memref<1x80xi32, #tpu.memory_space<vmem>> -> memref<80xi32, #tpu.memory_space<vmem>>
      %dma_start3A_44 = arith.constant 0 : i32
      %dma_start3A_45 = arith.constant 0 : i32
      %dma_start3A_46 = tpu.memref_slice %arg2[%dma_start3A_44, %dma_start3A_45] : memref<10000x64xf32, #tpu.memory_space<hbm>> -> memref<10000x64xf32, #tpu.memory_space<hbm>>
      tpu.enqueue_indirect_dma source(%dma_start3A_46 : memref<10000x64xf32, #tpu.memory_space<hbm>>) target(%arg12 : memref<80x64xf32, #tpu.memory_space<vmem>>) offsets(%dma_start3A_43 : memref<80xi32, #tpu.memory_space<vmem>>) semaphore(%arg17 : memref<!tpu.dma_semaphore, #tpu.memory_space<semaphore_mem>>)
      %scan3A_47 = arith.constant 0 : i32
      %scan3A_48 = arith.constant 0 : i32
      %scan3A_49 = arith.constant 8 : i32
      %scan3A_50 = arith.addi %scan3A_48, %scan3A_49 : i32
      %scan3A_51 = arith.constant 1 : i32
      scf.for %scan3A_53 = %scan3A_48 to %scan3A_50 step %scan3A_51  : i32 {
        %mul3A_54 = arith.constant 4 : i32
        %mul3A_55 = arith.muli %mul3A_54, %scan3A_53 : i32
        %dma_wait3A = arith.constant 0 : i32
        %dma_wait3A_56 = arith.constant 0 : i32
        %dma_wait3A_57 = tpu.memref_slice %arg2[%dma_wait3A, %dma_wait3A_56] : memref<10000x64xf32, #tpu.memory_space<hbm>> -> memref<80x64xf32, #tpu.memory_space<hbm>>
        %dma_wait3A_58 = arith.constant 0 : i32
        %dma_wait3A_59 = arith.constant 0 : i32
        %dma_wait3A_60 = tpu.memref_slice %arg2[%dma_wait3A_58, %dma_wait3A_59] : memref<10000x64xf32, #tpu.memory_space<hbm>> -> memref<80x64xf32, #tpu.memory_space<hbm>>
        tpu.wait_dma2 semaphore(%arg14 : memref<!tpu.dma_semaphore, #tpu.memory_space<semaphore_mem>>) src(%dma_wait3A_60 : memref<80x64xf32, #tpu.memory_space<hbm>>) dst(%arg9 : memref<80x64xf32, #tpu.memory_space<vmem>>)
        %add3A_61 = arith.constant 0 : i32
        %add3A_62 = arith.addi %mul3A_55, %add3A_61 : i32
        %dma_start3A_63 = arith.constant 0 : i32
        %dma_start3A_64 = tpu.memref_slice %arg8[%add3A_62, %dma_start3A_63] : memref<32x80xi32, #tpu.memory_space<vmem>> -> memref<1x80xi32, #tpu.memory_space<vmem>>
        %dma_start3A_65 = tpu.memref_squeeze %dma_start3A_64 : memref<1x80xi32, #tpu.memory_space<vmem>> -> memref<80xi32, #tpu.memory_space<vmem>>
        %dma_start3A_66 = arith.constant 0 : i32
        %dma_start3A_67 = arith.constant 0 : i32
        %dma_start3A_68 = tpu.memref_slice %arg13[%dma_start3A_66, %dma_start3A_67] : memref<10240x64xf32, #tpu.memory_space<vmem_shared>> -> memref<10240x64xf32, #tpu.memory_space<vmem_shared>>
        tpu.enqueue_indirect_dma source(%arg9 : memref<80x64xf32, #tpu.memory_space<vmem>>) target(%dma_start3A_68 : memref<10240x64xf32, #tpu.memory_space<vmem_shared>>) offsets(%dma_start3A_65 : memref<80xi32, #tpu.memory_space<vmem>>) semaphore(%arg18 : memref<!tpu.dma_semaphore, #tpu.memory_space<semaphore_mem>>) {add = true}
        %dma_wait3A_69 = arith.constant 0 : i32
        %dma_wait3A_70 = arith.constant 0 : i32
        %dma_wait3A_71 = tpu.memref_slice %arg2[%dma_wait3A_69, %dma_wait3A_70] : memref<10000x64xf32, #tpu.memory_space<hbm>> -> memref<80x64xf32, #tpu.memory_space<hbm>>
        %dma_wait3A_72 = arith.constant 0 : i32
        %dma_wait3A_73 = arith.constant 0 : i32
        %dma_wait3A_74 = tpu.memref_slice %arg2[%dma_wait3A_72, %dma_wait3A_73] : memref<10000x64xf32, #tpu.memory_space<hbm>> -> memref<80x64xf32, #tpu.memory_space<hbm>>
        tpu.wait_dma2 semaphore(%arg15 : memref<!tpu.dma_semaphore, #tpu.memory_space<semaphore_mem>>) src(%dma_wait3A_74 : memref<80x64xf32, #tpu.memory_space<hbm>>) dst(%arg10 : memref<80x64xf32, #tpu.memory_space<vmem>>)
        %add3A_75 = arith.constant 1 : i32
        %add3A_76 = arith.addi %mul3A_55, %add3A_75 : i32
        %dma_start3A_77 = arith.constant 0 : i32
        %dma_start3A_78 = tpu.memref_slice %arg8[%add3A_76, %dma_start3A_77] : memref<32x80xi32, #tpu.memory_space<vmem>> -> memref<1x80xi32, #tpu.memory_space<vmem>>
        %dma_start3A_79 = tpu.memref_squeeze %dma_start3A_78 : memref<1x80xi32, #tpu.memory_space<vmem>> -> memref<80xi32, #tpu.memory_space<vmem>>
        %dma_start3A_80 = arith.constant 0 : i32
        %dma_start3A_81 = arith.constant 0 : i32
        %dma_start3A_82 = tpu.memref_slice %arg13[%dma_start3A_80, %dma_start3A_81] : memref<10240x64xf32, #tpu.memory_space<vmem_shared>> -> memref<10240x64xf32, #tpu.memory_space<vmem_shared>>
        tpu.enqueue_indirect_dma source(%arg10 : memref<80x64xf32, #tpu.memory_space<vmem>>) target(%dma_start3A_82 : memref<10240x64xf32, #tpu.memory_space<vmem_shared>>) offsets(%dma_start3A_79 : memref<80xi32, #tpu.memory_space<vmem>>) semaphore(%arg19 : memref<!tpu.dma_semaphore, #tpu.memory_space<semaphore_mem>>) {add = true}
        %dma_wait3A_83 = arith.constant 0 : i32
        %dma_wait3A_84 = arith.constant 0 : i32
        %dma_wait3A_85 = tpu.memref_slice %arg2[%dma_wait3A_83, %dma_wait3A_84] : memref<10000x64xf32, #tpu.memory_space<hbm>> -> memref<80x64xf32, #tpu.memory_space<hbm>>
        %dma_wait3A_86 = arith.constant 0 : i32
        %dma_wait3A_87 = arith.constant 0 : i32
        %dma_wait3A_88 = tpu.memref_slice %arg2[%dma_wait3A_86, %dma_wait3A_87] : memref<10000x64xf32, #tpu.memory_space<hbm>> -> memref<80x64xf32, #tpu.memory_space<hbm>>
        tpu.wait_dma2 semaphore(%arg16 : memref<!tpu.dma_semaphore, #tpu.memory_space<semaphore_mem>>) src(%dma_wait3A_88 : memref<80x64xf32, #tpu.memory_space<hbm>>) dst(%arg11 : memref<80x64xf32, #tpu.memory_space<vmem>>)
        %add3A_89 = arith.constant 2 : i32
        %add3A_90 = arith.addi %mul3A_55, %add3A_89 : i32
        %dma_start3A_91 = arith.constant 0 : i32
        %dma_start3A_92 = tpu.memref_slice %arg8[%add3A_90, %dma_start3A_91] : memref<32x80xi32, #tpu.memory_space<vmem>> -> memref<1x80xi32, #tpu.memory_space<vmem>>
        %dma_start3A_93 = tpu.memref_squeeze %dma_start3A_92 : memref<1x80xi32, #tpu.memory_space<vmem>> -> memref<80xi32, #tpu.memory_space<vmem>>
        %dma_start3A_94 = arith.constant 0 : i32
        %dma_start3A_95 = arith.constant 0 : i32
        %dma_start3A_96 = tpu.memref_slice %arg13[%dma_start3A_94, %dma_start3A_95] : memref<10240x64xf32, #tpu.memory_space<vmem_shared>> -> memref<10240x64xf32, #tpu.memory_space<vmem_shared>>
        tpu.enqueue_indirect_dma source(%arg11 : memref<80x64xf32, #tpu.memory_space<vmem>>) target(%dma_start3A_96 : memref<10240x64xf32, #tpu.memory_space<vmem_shared>>) offsets(%dma_start3A_93 : memref<80xi32, #tpu.memory_space<vmem>>) semaphore(%arg20 : memref<!tpu.dma_semaphore, #tpu.memory_space<semaphore_mem>>) {add = true}
        %dma_wait3A_97 = arith.constant 0 : i32
        %dma_wait3A_98 = arith.constant 0 : i32
        %dma_wait3A_99 = tpu.memref_slice %arg2[%dma_wait3A_97, %dma_wait3A_98] : memref<10000x64xf32, #tpu.memory_space<hbm>> -> memref<80x64xf32, #tpu.memory_space<hbm>>
        %dma_wait3A_100 = arith.constant 0 : i32
        %dma_wait3A_101 = arith.constant 0 : i32
        %dma_wait3A_102 = tpu.memref_slice %arg2[%dma_wait3A_100, %dma_wait3A_101] : memref<10000x64xf32, #tpu.memory_space<hbm>> -> memref<80x64xf32, #tpu.memory_space<hbm>>
        tpu.wait_dma2 semaphore(%arg17 : memref<!tpu.dma_semaphore, #tpu.memory_space<semaphore_mem>>) src(%dma_wait3A_102 : memref<80x64xf32, #tpu.memory_space<hbm>>) dst(%arg12 : memref<80x64xf32, #tpu.memory_space<vmem>>)
        %add3A_103 = arith.constant 3 : i32
        %add3A_104 = arith.addi %mul3A_55, %add3A_103 : i32
        %dma_start3A_105 = arith.constant 0 : i32
        %dma_start3A_106 = tpu.memref_slice %arg8[%add3A_104, %dma_start3A_105] : memref<32x80xi32, #tpu.memory_space<vmem>> -> memref<1x80xi32, #tpu.memory_space<vmem>>
        %dma_start3A_107 = tpu.memref_squeeze %dma_start3A_106 : memref<1x80xi32, #tpu.memory_space<vmem>> -> memref<80xi32, #tpu.memory_space<vmem>>
        %dma_start3A_108 = arith.constant 0 : i32
        %dma_start3A_109 = arith.constant 0 : i32
        %dma_start3A_110 = tpu.memref_slice %arg13[%dma_start3A_108, %dma_start3A_109] : memref<10240x64xf32, #tpu.memory_space<vmem_shared>> -> memref<10240x64xf32, #tpu.memory_space<vmem_shared>>
        tpu.enqueue_indirect_dma source(%arg12 : memref<80x64xf32, #tpu.memory_space<vmem>>) target(%dma_start3A_110 : memref<10240x64xf32, #tpu.memory_space<vmem_shared>>) offsets(%dma_start3A_107 : memref<80xi32, #tpu.memory_space<vmem>>) semaphore(%arg21 : memref<!tpu.dma_semaphore, #tpu.memory_space<semaphore_mem>>) {add = true}
        %dma_wait3A_111 = arith.constant 0 : i32
        %dma_wait3A_112 = arith.constant 0 : i32
        %dma_wait3A_113 = tpu.memref_slice %arg13[%dma_wait3A_111, %dma_wait3A_112] : memref<10240x64xf32, #tpu.memory_space<vmem_shared>> -> memref<80x64xf32, #tpu.memory_space<vmem_shared>>
        %dma_wait3A_114 = arith.constant 0 : i32
        %dma_wait3A_115 = arith.constant 0 : i32
        %dma_wait3A_116 = tpu.memref_slice %arg13[%dma_wait3A_114, %dma_wait3A_115] : memref<10240x64xf32, #tpu.memory_space<vmem_shared>> -> memref<80x64xf32, #tpu.memory_space<vmem_shared>>
        tpu.wait_dma2 semaphore(%arg18 : memref<!tpu.dma_semaphore, #tpu.memory_space<semaphore_mem>>) src(%arg9 : memref<80x64xf32, #tpu.memory_space<vmem>>) dst(%dma_wait3A_116 : memref<80x64xf32, #tpu.memory_space<vmem_shared>>)
        %add3A_117 = arith.constant 1 : i32
        %add3A_118 = arith.addi %scan3A_53, %add3A_117 : i32
        %lt3A = arith.constant 8 : i32
        %lt3A_119 = arith.cmpi slt, %add3A_118, %lt3A : i32
        %convert_element_type3A = arith.extui %lt3A_119 : i1 to i32
        %cond3A = arith.constant 0 : i32
        %cond3A_120 = arith.cmpi ne, %convert_element_type3A, %cond3A : i32
        scf.if %cond3A_120 {
          %add3A_160 = arith.constant 4 : i32
          %add3A_161 = arith.addi %mul3A_55, %add3A_160 : i32
          %add3A_162 = arith.constant 0 : i32
          %add3A_163 = arith.addi %add3A_161, %add3A_162 : i32
          %dma_start3A_164 = arith.constant 0 : i32
          %dma_start3A_165 = tpu.memref_slice %arg7[%add3A_163, %dma_start3A_164] : memref<32x80xi32, #tpu.memory_space<vmem>> -> memref<1x80xi32, #tpu.memory_space<vmem>>
          %dma_start3A_166 = tpu.memref_squeeze %dma_start3A_165 : memref<1x80xi32, #tpu.memory_space<vmem>> -> memref<80xi32, #tpu.memory_space<vmem>>
          %dma_start3A_167 = arith.constant 0 : i32
          %dma_start3A_168 = arith.constant 0 : i32
          %dma_start3A_169 = tpu.memref_slice %arg2[%dma_start3A_167, %dma_start3A_168] : memref<10000x64xf32, #tpu.memory_space<hbm>> -> memref<10000x64xf32, #tpu.memory_space<hbm>>
          tpu.enqueue_indirect_dma source(%dma_start3A_169 : memref<10000x64xf32, #tpu.memory_space<hbm>>) target(%arg9 : memref<80x64xf32, #tpu.memory_space<vmem>>) offsets(%dma_start3A_166 : memref<80xi32, #tpu.memory_space<vmem>>) semaphore(%arg14 : memref<!tpu.dma_semaphore, #tpu.memory_space<semaphore_mem>>)
        } else {
        }
        %dma_wait3A_121 = arith.constant 0 : i32
        %dma_wait3A_122 = arith.constant 0 : i32
        %dma_wait3A_123 = tpu.memref_slice %arg13[%dma_wait3A_121, %dma_wait3A_122] : memref<10240x64xf32, #tpu.memory_space<vmem_shared>> -> memref<80x64xf32, #tpu.memory_space<vmem_shared>>
        %dma_wait3A_124 = arith.constant 0 : i32
        %dma_wait3A_125 = arith.constant 0 : i32
        %dma_wait3A_126 = tpu.memref_slice %arg13[%dma_wait3A_124, %dma_wait3A_125] : memref<10240x64xf32, #tpu.memory_space<vmem_shared>> -> memref<80x64xf32, #tpu.memory_space<vmem_shared>>
        tpu.wait_dma2 semaphore(%arg19 : memref<!tpu.dma_semaphore, #tpu.memory_space<semaphore_mem>>) src(%arg10 : memref<80x64xf32, #tpu.memory_space<vmem>>) dst(%dma_wait3A_126 : memref<80x64xf32, #tpu.memory_space<vmem_shared>>)
        %add3A_127 = arith.constant 1 : i32
        %add3A_128 = arith.addi %scan3A_53, %add3A_127 : i32
        %lt3A_129 = arith.constant 8 : i32
        %lt3A_130 = arith.cmpi slt, %add3A_128, %lt3A_129 : i32
        %convert_element_type3A_131 = arith.extui %lt3A_130 : i1 to i32
        %cond3A_132 = arith.constant 0 : i32
        %cond3A_133 = arith.cmpi ne, %convert_element_type3A_131, %cond3A_132 : i32
        scf.if %cond3A_133 {
          %add3A_160 = arith.constant 4 : i32
          %add3A_161 = arith.addi %mul3A_55, %add3A_160 : i32
          %add3A_162 = arith.constant 1 : i32
          %add3A_163 = arith.addi %add3A_161, %add3A_162 : i32
          %dma_start3A_164 = arith.constant 0 : i32
          %dma_start3A_165 = tpu.memref_slice %arg7[%add3A_163, %dma_start3A_164] : memref<32x80xi32, #tpu.memory_space<vmem>> -> memref<1x80xi32, #tpu.memory_space<vmem>>
          %dma_start3A_166 = tpu.memref_squeeze %dma_start3A_165 : memref<1x80xi32, #tpu.memory_space<vmem>> -> memref<80xi32, #tpu.memory_space<vmem>>
          %dma_start3A_167 = arith.constant 0 : i32
          %dma_start3A_168 = arith.constant 0 : i32
          %dma_start3A_169 = tpu.memref_slice %arg2[%dma_start3A_167, %dma_start3A_168] : memref<10000x64xf32, #tpu.memory_space<hbm>> -> memref<10000x64xf32, #tpu.memory_space<hbm>>
          tpu.enqueue_indirect_dma source(%dma_start3A_169 : memref<10000x64xf32, #tpu.memory_space<hbm>>) target(%arg10 : memref<80x64xf32, #tpu.memory_space<vmem>>) offsets(%dma_start3A_166 : memref<80xi32, #tpu.memory_space<vmem>>) semaphore(%arg15 : memref<!tpu.dma_semaphore, #tpu.memory_space<semaphore_mem>>)
        } else {
        }
        %dma_wait3A_134 = arith.constant 0 : i32
        %dma_wait3A_135 = arith.constant 0 : i32
        %dma_wait3A_136 = tpu.memref_slice %arg13[%dma_wait3A_134, %dma_wait3A_135] : memref<10240x64xf32, #tpu.memory_space<vmem_shared>> -> memref<80x64xf32, #tpu.memory_space<vmem_shared>>
        %dma_wait3A_137 = arith.constant 0 : i32
        %dma_wait3A_138 = arith.constant 0 : i32
        %dma_wait3A_139 = tpu.memref_slice %arg13[%dma_wait3A_137, %dma_wait3A_138] : memref<10240x64xf32, #tpu.memory_space<vmem_shared>> -> memref<80x64xf32, #tpu.memory_space<vmem_shared>>
        tpu.wait_dma2 semaphore(%arg20 : memref<!tpu.dma_semaphore, #tpu.memory_space<semaphore_mem>>) src(%arg11 : memref<80x64xf32, #tpu.memory_space<vmem>>) dst(%dma_wait3A_139 : memref<80x64xf32, #tpu.memory_space<vmem_shared>>)
        %add3A_140 = arith.constant 1 : i32
        %add3A_141 = arith.addi %scan3A_53, %add3A_140 : i32
        %lt3A_142 = arith.constant 8 : i32
        %lt3A_143 = arith.cmpi slt, %add3A_141, %lt3A_142 : i32
        %convert_element_type3A_144 = arith.extui %lt3A_143 : i1 to i32
        %cond3A_145 = arith.constant 0 : i32
        %cond3A_146 = arith.cmpi ne, %convert_element_type3A_144, %cond3A_145 : i32
        scf.if %cond3A_146 {
          %add3A_160 = arith.constant 4 : i32
          %add3A_161 = arith.addi %mul3A_55, %add3A_160 : i32
          %add3A_162 = arith.constant 2 : i32
          %add3A_163 = arith.addi %add3A_161, %add3A_162 : i32
          %dma_start3A_164 = arith.constant 0 : i32
          %dma_start3A_165 = tpu.memref_slice %arg7[%add3A_163, %dma_start3A_164] : memref<32x80xi32, #tpu.memory_space<vmem>> -> memref<1x80xi32, #tpu.memory_space<vmem>>
          %dma_start3A_166 = tpu.memref_squeeze %dma_start3A_165 : memref<1x80xi32, #tpu.memory_space<vmem>> -> memref<80xi32, #tpu.memory_space<vmem>>
          %dma_start3A_167 = arith.constant 0 : i32
          %dma_start3A_168 = arith.constant 0 : i32
          %dma_start3A_169 = tpu.memref_slice %arg2[%dma_start3A_167, %dma_start3A_168] : memref<10000x64xf32, #tpu.memory_space<hbm>> -> memref<10000x64xf32, #tpu.memory_space<hbm>>
          tpu.enqueue_indirect_dma source(%dma_start3A_169 : memref<10000x64xf32, #tpu.memory_space<hbm>>) target(%arg11 : memref<80x64xf32, #tpu.memory_space<vmem>>) offsets(%dma_start3A_166 : memref<80xi32, #tpu.memory_space<vmem>>) semaphore(%arg16 : memref<!tpu.dma_semaphore, #tpu.memory_space<semaphore_mem>>)
        } else {
        }
        %dma_wait3A_147 = arith.constant 0 : i32
        %dma_wait3A_148 = arith.constant 0 : i32
        %dma_wait3A_149 = tpu.memref_slice %arg13[%dma_wait3A_147, %dma_wait3A_148] : memref<10240x64xf32, #tpu.memory_space<vmem_shared>> -> memref<80x64xf32, #tpu.memory_space<vmem_shared>>
        %dma_wait3A_150 = arith.constant 0 : i32
        %dma_wait3A_151 = arith.constant 0 : i32
        %dma_wait3A_152 = tpu.memref_slice %arg13[%dma_wait3A_150, %dma_wait3A_151] : memref<10240x64xf32, #tpu.memory_space<vmem_shared>> -> memref<80x64xf32, #tpu.memory_space<vmem_shared>>
        tpu.wait_dma2 semaphore(%arg21 : memref<!tpu.dma_semaphore, #tpu.memory_space<semaphore_mem>>) src(%arg12 : memref<80x64xf32, #tpu.memory_space<vmem>>) dst(%dma_wait3A_152 : memref<80x64xf32, #tpu.memory_space<vmem_shared>>)
        %add3A_153 = arith.constant 1 : i32
        %add3A_154 = arith.addi %scan3A_53, %add3A_153 : i32
        %lt3A_155 = arith.constant 8 : i32
        %lt3A_156 = arith.cmpi slt, %add3A_154, %lt3A_155 : i32
        %convert_element_type3A_157 = arith.extui %lt3A_156 : i1 to i32
        %cond3A_158 = arith.constant 0 : i32
        %cond3A_159 = arith.cmpi ne, %convert_element_type3A_157, %cond3A_158 : i32
        scf.if %cond3A_159 {
          %add3A_160 = arith.constant 4 : i32
          %add3A_161 = arith.addi %mul3A_55, %add3A_160 : i32
          %add3A_162 = arith.constant 3 : i32
          %add3A_163 = arith.addi %add3A_161, %add3A_162 : i32
          %dma_start3A_164 = arith.constant 0 : i32
          %dma_start3A_165 = tpu.memref_slice %arg7[%add3A_163, %dma_start3A_164] : memref<32x80xi32, #tpu.memory_space<vmem>> -> memref<1x80xi32, #tpu.memory_space<vmem>>
          %dma_start3A_166 = tpu.memref_squeeze %dma_start3A_165 : memref<1x80xi32, #tpu.memory_space<vmem>> -> memref<80xi32, #tpu.memory_space<vmem>>
          %dma_start3A_167 = arith.constant 0 : i32
          %dma_start3A_168 = arith.constant 0 : i32
          %dma_start3A_169 = tpu.memref_slice %arg2[%dma_start3A_167, %dma_start3A_168] : memref<10000x64xf32, #tpu.memory_space<hbm>> -> memref<10000x64xf32, #tpu.memory_space<hbm>>
          tpu.enqueue_indirect_dma source(%dma_start3A_169 : memref<10000x64xf32, #tpu.memory_space<hbm>>) target(%arg12 : memref<80x64xf32, #tpu.memory_space<vmem>>) offsets(%dma_start3A_166 : memref<80xi32, #tpu.memory_space<vmem>>) semaphore(%arg17 : memref<!tpu.dma_semaphore, #tpu.memory_space<semaphore_mem>>)
        } else {
        }
      }
      %scan3A_52 = arith.constant 8 : i32
    }
    %scan3A_9 = arith.constant 4 : i32
    %barrier3A_10 = arith.constant 0 : index
    tpu.barrier barrier_id(%barrier3A_10)
    %mul3A_11 = arith.constant 640 : i32
    %mul3A_12 = arith.muli %arg1, %mul3A_11 : i32
    %mul3A_13 = arith.constant 640 : i32
    %mul3A_14 = arith.muli %arg1, %mul3A_13 : i32
    "tpu.region"() ({
      %run_scoped3A = tpu.sem_alloc : memref<!tpu.dma_semaphore, #tpu.memory_space<semaphore_mem>>
      %dma_start3A = arith.constant 0 : i32
      %dma_start3A_15 = tpu.memref_slice %arg6[%arg0, %mul3A_14, %dma_start3A] : memref<2x10240x64xf32, #tpu.memory_space<hbm>> -> memref<1x640x64xf32, #tpu.memory_space<hbm>>
      %dma_start3A_16 = tpu.memref_squeeze %dma_start3A_15 : memref<1x640x64xf32, #tpu.memory_space<hbm>> -> memref<640x64xf32, #tpu.memory_space<hbm>>
      %dma_start3A_17 = arith.constant 0 : i32
      %dma_start3A_18 = tpu.memref_slice %arg13[%mul3A_12, %dma_start3A_17] : memref<10240x64xf32, #tpu.memory_space<vmem_shared>> -> memref<640x64xf32, #tpu.memory_space<vmem_shared>>
      tpu.enqueue_dma source(%dma_start3A_18 : memref<640x64xf32, #tpu.memory_space<vmem_shared>>) target(%dma_start3A_16 : memref<640x64xf32, #tpu.memory_space<hbm>>) target_semaphore(%run_scoped3A : memref<!tpu.dma_semaphore, #tpu.memory_space<semaphore_mem>>)
      %dma_wait3A = arith.constant 0 : i32
      %dma_wait3A_19 = tpu.memref_slice %arg6[%arg0, %mul3A_14, %dma_wait3A] : memref<2x10240x64xf32, #tpu.memory_space<hbm>> -> memref<1x640x64xf32, #tpu.memory_space<hbm>>
      %dma_wait3A_20 = tpu.memref_squeeze %dma_wait3A_19 : memref<1x640x64xf32, #tpu.memory_space<hbm>> -> memref<640x64xf32, #tpu.memory_space<hbm>>
      %dma_wait3A_21 = arith.constant 0 : i32
      %dma_wait3A_22 = tpu.memref_slice %arg13[%mul3A_12, %dma_wait3A_21] : memref<10240x64xf32, #tpu.memory_space<vmem_shared>> -> memref<640x64xf32, #tpu.memory_space<vmem_shared>>
      tpu.wait_dma2 semaphore(%run_scoped3A : memref<!tpu.dma_semaphore, #tpu.memory_space<semaphore_mem>>) src(%dma_wait3A_22 : memref<640x64xf32, #tpu.memory_space<vmem_shared>>) dst(%dma_wait3A_20 : memref<640x64xf32, #tpu.memory_space<hbm>>)
      tpu.yield
    }) : () -> ()
    return
  }
}

module attributes {stable_mosaic.version = 14 : i64} {
  func.func @body(%arg0: i32, %arg1: memref<2x32000xi32, #tpu.memory_space<vmem>>, %arg2: memref<128x128xf32, #tpu.memory_space<vmem>>) attributes {dimension_semantics = [#tpu.dimension_semantics<arbitrary>], iteration_bounds = array<i64: 10>, scalar_prefetch = 0 : i64, scratch_operands = 0 : i64, tpu.core_type = #tpu.core_type<tc>, window_params = [{transform_indices = @transform_0, window_bounds = array<i64: 2, 32000>}, {pipeline_mode = #tpu.pipeline_mode<synchronous>, transform_indices = @transform_1, window_bounds = array<i64: 128, 128>}]} {
    %eq3A = arith.constant 0 : i32
    %eq3A_0 = arith.cmpi eq, %arg0, %eq3A : i32
    %convert_element_type3A = arith.extui %eq3A_0 : i1 to i32
    %cond3A = arith.constant 0 : i32
    %cond3A_1 = arith.cmpi ne, %convert_element_type3A, %cond3A : i32
    scf.if %cond3A_1 {
      %broadcast_in_dim3A = arith.constant 0.000000e+00 : f32
      %broadcast_in_dim3A_24 = vector.broadcast %broadcast_in_dim3A : f32 to vector<128x128xf32>
      %swap3A_25 = arith.constant 0 : index
      %swap3A_26 = arith.constant 0 : index
      %swap3A_27 = vector.load %arg2[%swap3A_25, %swap3A_26] : memref<128x128xf32, #tpu.memory_space<vmem>>, vector<128x128xf32>
      tpu.vector_store %arg2[%swap3A_25, %swap3A_26], %broadcast_in_dim3A_24 {strides = array<i32>} : memref<128x128xf32, #tpu.memory_space<vmem>>, vector<128x128xf32>,
    } else {
    }
    %get3A = arith.constant 1 : index
    %get3A_2 = arith.constant 0 : index
    %get3A_3 = vector.load %arg1[%get3A, %get3A_2] : memref<2x32000xi32, #tpu.memory_space<vmem>>, vector<1x32000xi32>
    %iota3A = tpu.iota {dimensions = array<i32: 0>} : vector<128x32000xi32>
    %shift_right_logical3A = arith.constant 7 : i32
    %shift_right_logical3A_4 = vector.broadcast %shift_right_logical3A : i32 to vector<1x32000xi32>
    %shift_right_logical3A_5 = arith.shrui %get3A_3, %shift_right_logical3A_4 : vector<1x32000xi32>
    %eq3A_6 = vector.broadcast %shift_right_logical3A_5 : vector<1x32000xi32> to vector<128x32000xi32>
    %eq3A_7 = arith.cmpi eq, %iota3A, %eq3A_6 : vector<128x32000xi32>
    %convert_element_type3A_8 = arith.extui %eq3A_7 : vector<128x32000xi1> to vector<128x32000xi32>
    %convert_element_type3A_9 = arith.sitofp %convert_element_type3A_8 : vector<128x32000xi32> to vector<128x32000xf32>
    %convert_element_type3A_10 = arith.truncf %convert_element_type3A_9 : vector<128x32000xf32> to vector<128x32000xbf16>
    %and3A = arith.constant 127 : i32
    %and3A_11 = vector.broadcast %and3A : i32 to vector<1x32000xi32>
    %and3A_12 = arith.andi %get3A_3, %and3A_11 : vector<1x32000xi32>
    %eq3A_13 = vector.broadcast %and3A_12 : vector<1x32000xi32> to vector<128x32000xi32>
    %eq3A_14 = arith.cmpi eq, %iota3A, %eq3A_13 : vector<128x32000xi32>
    %convert_element_type3A_15 = arith.extui %eq3A_14 : vector<128x32000xi1> to vector<128x32000xi32>
    %convert_element_type3A_16 = arith.sitofp %convert_element_type3A_15 : vector<128x32000xi32> to vector<128x32000xf32>
    %convert_element_type3A_17 = arith.truncf %convert_element_type3A_16 : vector<128x32000xf32> to vector<128x32000xbf16>
    %get3A_18 = arith.constant 0 : index
    %get3A_19 = arith.constant 0 : index
    %get3A_20 = vector.load %arg2[%get3A_18, %get3A_19] : memref<128x128xf32, #tpu.memory_space<vmem>>, vector<128x128xf32>
    %dot_general3A = arith.constant dense<0.000000e+00> : vector<128x128xf32>
    %dot_general3A_21 = tpu.matmul %convert_element_type3A_10, %convert_element_type3A_17, %dot_general3A {dimension_numbers = #tpu.dot_dimension_numbers<[1], [1], [0], [0], [0, 0, 1, 0], [], []>, transpose_lhs_hint = false} : vector<128x32000xbf16>, vector<128x32000xbf16>, vector<128x128xf32> -> vector<128x128xf32>
    %add3A = arith.addf %get3A_20, %dot_general3A_21 : vector<128x128xf32>
    %swap3A = arith.constant 0 : index
    %swap3A_22 = arith.constant 0 : index
    %swap3A_23 = vector.load %arg2[%swap3A, %swap3A_22] : memref<128x128xf32, #tpu.memory_space<vmem>>, vector<128x128xf32>
    tpu.vector_store %arg2[%swap3A, %swap3A_22], %add3A {strides = array<i32>} : memref<128x128xf32, #tpu.memory_space<vmem>>, vector<128x128xf32>,
    return
  }
  func.func @transform_0(%arg0: i32) -> (i32, i32) {
    %c0_i32 = arith.constant 0 : i32
    %c0_i32_0 = arith.constant 0 : i32
    return %c0_i32, %arg0 : i32, i32
  }
  func.func @transform_1(%arg0: i32) -> (i32, i32) {
    %c0_i32 = arith.constant 0 : i32
    %c0_i32_0 = arith.constant 0 : i32
    %c0_i32_1 = arith.constant 0 : i32
    return %c0_i32, %c0_i32_0 : i32, i32
  }
}

module attributes {stable_mosaic.version = 14 : i64} {
  func.func @body(%arg0: i32, %arg1: memref<128x128xf32, #tpu.memory_space<vmem>>, %arg2: memref<1000x128xf32, #tpu.memory_space<vmem>>, %arg3: memref<128x128xf32, #tpu.memory_space<vmem>>, %arg4: memref<1000x128xf32, #tpu.memory_space<vmem>>, %arg5: memref<1000x128xf32, #tpu.memory_space<vmem>>) attributes {dimension_semantics = [#tpu.dimension_semantics<arbitrary>], iteration_bounds = array<i64: 10>, scalar_prefetch = 0 : i64, scratch_operands = 0 : i64, tpu.core_type = #tpu.core_type<tc>, window_params = [{pipeline_mode = #tpu.pipeline_mode<synchronous>, transform_indices = @transform_0, window_bounds = array<i64: 128, 128>}, {transform_indices = @transform_1, window_bounds = array<i64: 1000, 128>}, {pipeline_mode = #tpu.pipeline_mode<synchronous>, transform_indices = @transform_2, window_bounds = array<i64: 128, 128>}, {transform_indices = @transform_3, window_bounds = array<i64: 1000, 128>}, {transform_indices = @transform_4, window_bounds = array<i64: 1000, 128>}]} {
    %mul3A = arith.constant 1000 : i32
    %mul3A_0 = arith.muli %arg0, %mul3A : i32
    %iota3A = tpu.iota {dimensions = array<i32: 0>} : vector<1000x128xi32>
    %add3A = vector.broadcast %mul3A_0 : i32 to vector<1000x128xi32>
    %add3A_1 = arith.addi %add3A, %iota3A : vector<1000x128xi32>
    %iota3A_2 = tpu.iota {dimensions = array<i32: 1>} : vector<1000x128xi32>
    %shift_right_logical3A = arith.constant 7 : i32
    %shift_right_logical3A_3 = vector.broadcast %shift_right_logical3A : i32 to vector<1000x128xi32>
    %shift_right_logical3A_4 = arith.shrui %add3A_1, %shift_right_logical3A_3 : vector<1000x128xi32>
    %eq3A = arith.cmpi eq, %iota3A_2, %shift_right_logical3A_4 : vector<1000x128xi32>
    %convert_element_type3A = arith.extui %eq3A : vector<1000x128xi1> to vector<1000x128xi32>
    %convert_element_type3A_5 = arith.sitofp %convert_element_type3A : vector<1000x128xi32> to vector<1000x128xf32>
    %get3A = arith.constant 0 : index
    %get3A_6 = arith.constant 0 : index
    %get3A_7 = vector.load %arg1[%get3A, %get3A_6] : memref<128x128xf32, #tpu.memory_space<vmem>>, vector<128x128xf32>
    %dot_general3A = arith.constant dense<0.000000e+00> : vector<1000x128xf32>
    %dot_general3A_8 = tpu.matmul %convert_element_type3A_5, %get3A_7, %dot_general3A {dimension_numbers = #tpu.dot_dimension_numbers<[1], [0], [0], [1], [0, 0, 1, 1], [], []>, transpose_lhs_hint = false} : vector<1000x128xf32>, vector<128x128xf32>, vector<1000x128xf32> -> vector<1000x128xf32>
    %and3A = arith.constant 127 : i32
    %and3A_9 = vector.broadcast %and3A : i32 to vector<1000x128xi32>
    %and3A_10 = arith.andi %add3A_1, %and3A_9 : vector<1000x128xi32>
    %eq3A_11 = arith.cmpi eq, %iota3A_2, %and3A_10 : vector<1000x128xi32>
    %convert_element_type3A_12 = arith.extui %eq3A_11 : vector<1000x128xi1> to vector<1000x128xi32>
    %convert_element_type3A_13 = arith.sitofp %convert_element_type3A_12 : vector<1000x128xi32> to vector<1000x128xf32>
    %mul3A_14 = arith.mulf %dot_general3A_8, %convert_element_type3A_13 : vector<1000x128xf32>
    %reduce_sum3A = arith.constant dense<0.000000e+00> : vector<1000xf32>
    %reduce_sum3A_15 = vector.multi_reduction <add>, %mul3A_14, %reduce_sum3A [1] : vector<1000x128xf32> to vector<1000xf32>
    %broadcast_in_dim3A = vector.shape_cast %reduce_sum3A_15 : vector<1000xf32> to vector<1000x1xf32>
    %add3A_16 = arith.constant 1.000000e+00 : f32
    %add3A_17 = vector.broadcast %add3A_16 : f32 to vector<1000x1xf32>
    %add3A_18 = arith.addf %broadcast_in_dim3A, %add3A_17 : vector<1000x1xf32>
    %rsqrt3A = math.rsqrt %add3A_18 : vector<1000x1xf32>
    %get3A_19 = arith.constant 0 : index
    %get3A_20 = arith.constant 0 : index
    %get3A_21 = vector.load %arg2[%get3A_19, %get3A_20] : memref<1000x128xf32, #tpu.memory_space<vmem>>, vector<1000x128xf32>
    %get3A_22 = arith.constant 0 : index
    %get3A_23 = arith.constant 0 : index
    %get3A_24 = vector.load %arg3[%get3A_22, %get3A_23] : memref<128x128xf32, #tpu.memory_space<vmem>>, vector<128x128xf32>
    %dot_general3A_25 = arith.constant dense<0.000000e+00> : vector<1000x128xf32>
    %dot_general3A_26 = tpu.matmul %get3A_21, %get3A_24, %dot_general3A_25 {dimension_numbers = #tpu.dot_dimension_numbers<[1], [0], [0], [1], [0, 0, 1, 1], [], []>, transpose_lhs_hint = false} : vector<1000x128xf32>, vector<128x128xf32>, vector<1000x128xf32> -> vector<1000x128xf32>
    %mul3A_27 = vector.broadcast %rsqrt3A : vector<1000x1xf32> to vector<1000x128xf32>
    %mul3A_28 = arith.mulf %mul3A_27, %dot_general3A_26 : vector<1000x128xf32>
    %swap3A = arith.constant 0 : index
    %swap3A_29 = arith.constant 0 : index
    %swap3A_30 = vector.load %arg4[%swap3A, %swap3A_29] : memref<1000x128xf32, #tpu.memory_space<vmem>>, vector<1000x128xf32>
    tpu.vector_store %arg4[%swap3A, %swap3A_29], %mul3A_28 {strides = array<i32>} : memref<1000x128xf32, #tpu.memory_space<vmem>>, vector<1000x128xf32>,
    %broadcast_in_dim3A_31 = vector.shape_cast %rsqrt3A : vector<1000x1xf32> to vector<1000x1xf32>
    %broadcast_in_dim3A_32 = vector.broadcast %broadcast_in_dim3A_31 : vector<1000x1xf32> to vector<1000x128xf32>
    %swap3A_33 = arith.constant 0 : index
    %swap3A_34 = arith.constant 0 : index
    %swap3A_35 = vector.load %arg5[%swap3A_33, %swap3A_34] : memref<1000x128xf32, #tpu.memory_space<vmem>>, vector<1000x128xf32>
    tpu.vector_store %arg5[%swap3A_33, %swap3A_34], %broadcast_in_dim3A_32 {strides = array<i32>} : memref<1000x128xf32, #tpu.memory_space<vmem>>, vector<1000x128xf32>,
    return
  }
  func.func @transform_0(%arg0: i32) -> (i32, i32) {
    %c0_i32 = arith.constant 0 : i32
    %c0_i32_0 = arith.constant 0 : i32
    %c0_i32_1 = arith.constant 0 : i32
    return %c0_i32, %c0_i32_0 : i32, i32
  }
  func.func @transform_1(%arg0: i32) -> (i32, i32) {
    %c0_i32 = arith.constant 0 : i32
    %c0_i32_0 = arith.constant 0 : i32
    return %arg0, %c0_i32 : i32, i32
  }
  func.func @transform_2(%arg0: i32) -> (i32, i32) {
    %c0_i32 = arith.constant 0 : i32
    %c0_i32_0 = arith.constant 0 : i32
    %c0_i32_1 = arith.constant 0 : i32
    return %c0_i32, %c0_i32_0 : i32, i32
  }
  func.func @transform_3(%arg0: i32) -> (i32, i32) {
    %c0_i32 = arith.constant 0 : i32
    %c0_i32_0 = arith.constant 0 : i32
    return %arg0, %c0_i32 : i32, i32
  }
  func.func @transform_4(%arg0: i32) -> (i32, i32) {
    %c0_i32 = arith.constant 0 : i32
    %c0_i32_0 = arith.constant 0 : i32
    return %arg0, %c0_i32 : i32, i32
  }
}

module attributes {stable_mosaic.version = 14 : i64} {
  func.func @body(%arg0: i32, %arg1: memref<1x1000x128xf32, #tpu.memory_space<vmem>>, %arg2: memref<1x1000x128xf32, #tpu.memory_space<vmem>>, %arg3: memref<1000x128xf32, #tpu.memory_space<vmem>>, %arg4: memref<1000x128xf32, #tpu.memory_space<vmem>>, %arg5: memref<1x128xf32, #tpu.memory_space<vmem>>, %arg6: memref<128x64xf32, #tpu.memory_space<vmem>>, %arg7: memref<1000x64xf32, #tpu.memory_space<vmem>>) attributes {dimension_semantics = [#tpu.dimension_semantics<arbitrary>], iteration_bounds = array<i64: 10>, scalar_prefetch = 0 : i64, scratch_operands = 0 : i64, tpu.core_type = #tpu.core_type<tc>, window_params = [{transform_indices = @transform_0, window_bounds = array<i64: 1, 1000, 128>}, {transform_indices = @transform_1, window_bounds = array<i64: 1, 1000, 128>}, {transform_indices = @transform_2, window_bounds = array<i64: 1000, 128>}, {transform_indices = @transform_3, window_bounds = array<i64: 1000, 128>}, {pipeline_mode = #tpu.pipeline_mode<synchronous>, transform_indices = @transform_4, window_bounds = array<i64: 1, 128>}, {pipeline_mode = #tpu.pipeline_mode<synchronous>, transform_indices = @transform_5, window_bounds = array<i64: 128, 64>}, {transform_indices = @transform_6, window_bounds = array<i64: 1000, 64>}]} {
    %get3A = arith.constant 0 : index
    %get3A_0 = arith.constant 0 : index
    %get3A_1 = arith.constant 0 : index
    %get3A_2 = vector.load %arg1[%get3A, %get3A_0, %get3A_1] : memref<1x1000x128xf32, #tpu.memory_space<vmem>>, vector<1x1000x128xf32>
    %get3A_3 = vector.shape_cast %get3A_2 : vector<1x1000x128xf32> to vector<1000x128xf32>
    %get3A_4 = arith.constant 0 : index
    %get3A_5 = arith.constant 0 : index
    %get3A_6 = arith.constant 0 : index
    %get3A_7 = vector.load %arg2[%get3A_4, %get3A_5, %get3A_6] : memref<1x1000x128xf32, #tpu.memory_space<vmem>>, vector<1x1000x128xf32>
    %get3A_8 = vector.shape_cast %get3A_7 : vector<1x1000x128xf32> to vector<1000x128xf32>
    %add3A = arith.addf %get3A_3, %get3A_8 : vector<1000x128xf32>
    %get3A_9 = arith.constant 0 : index
    %get3A_10 = arith.constant 0 : index
    %get3A_11 = vector.load %arg3[%get3A_9, %get3A_10] : memref<1000x128xf32, #tpu.memory_space<vmem>>, vector<1000x128xf32>
    %add3A_12 = arith.addf %add3A, %get3A_11 : vector<1000x128xf32>
    %get3A_13 = arith.constant 0 : index
    %get3A_14 = arith.constant 0 : index
    %get3A_15 = vector.load %arg4[%get3A_13, %get3A_14] : memref<1000x128xf32, #tpu.memory_space<vmem>>, vector<1000x128xf32>
    %mul3A = arith.mulf %get3A_15, %add3A_12 : vector<1000x128xf32>
    %get3A_16 = arith.constant 0 : index
    %get3A_17 = arith.constant 0 : index
    %get3A_18 = vector.load %arg5[%get3A_16, %get3A_17] : memref<1x128xf32, #tpu.memory_space<vmem>>, vector<1x128xf32>
    %add3A_19 = vector.broadcast %get3A_18 : vector<1x128xf32> to vector<1000x128xf32>
    %add3A_20 = arith.addf %mul3A, %add3A_19 : vector<1000x128xf32>
    %max3A = arith.constant 0.000000e+00 : f32
    %max3A_21 = vector.broadcast %max3A : f32 to vector<1000x128xf32>
    %max3A_22 = arith.maximumf %add3A_20, %max3A_21 : vector<1000x128xf32>
    %get3A_23 = arith.constant 0 : index
    %get3A_24 = arith.constant 0 : index
    %get3A_25 = vector.load %arg4[%get3A_23, %get3A_24] : memref<1000x128xf32, #tpu.memory_space<vmem>>, vector<1000x64xf32>
    %get3A_26 = arith.constant 0 : index
    %get3A_27 = arith.constant 0 : index
    %get3A_28 = vector.load %arg6[%get3A_26, %get3A_27] : memref<128x64xf32, #tpu.memory_space<vmem>>, vector<128x64xf32>
    %dot_general3A = arith.constant dense<0.000000e+00> : vector<1000x64xf32>
    %dot_general3A_29 = tpu.matmul %max3A_22, %get3A_28, %dot_general3A {dimension_numbers = #tpu.dot_dimension_numbers<[1], [0], [0], [1], [0, 0, 1, 1], [], []>, transpose_lhs_hint = false} : vector<1000x128xf32>, vector<128x64xf32>, vector<1000x64xf32> -> vector<1000x64xf32>
    %mul3A_30 = arith.mulf %get3A_25, %dot_general3A_29 : vector<1000x64xf32>
    %swap3A = arith.constant 0 : index
    %swap3A_31 = arith.constant 0 : index
    %swap3A_32 = vector.load %arg7[%swap3A, %swap3A_31] : memref<1000x64xf32, #tpu.memory_space<vmem>>, vector<1000x64xf32>
    tpu.vector_store %arg7[%swap3A, %swap3A_31], %mul3A_30 {strides = array<i32>} : memref<1000x64xf32, #tpu.memory_space<vmem>>, vector<1000x64xf32>,
    return
  }
  func.func @transform_0(%arg0: i32) -> (i32, i32, i32) {
    %c0_i32 = arith.constant 0 : i32
    %c0_i32_0 = arith.constant 0 : i32
    %c0_i32_1 = arith.constant 0 : i32
    return %c0_i32, %arg0, %c0_i32_0 : i32, i32, i32
  }
  func.func @transform_1(%arg0: i32) -> (i32, i32, i32) {
    %c1_i32 = arith.constant 1 : i32
    %c0_i32 = arith.constant 0 : i32
    %c0_i32_0 = arith.constant 0 : i32
    return %c1_i32, %arg0, %c0_i32 : i32, i32, i32
  }
  func.func @transform_2(%arg0: i32) -> (i32, i32) {
    %c0_i32 = arith.constant 0 : i32
    %c0_i32_0 = arith.constant 0 : i32
    return %arg0, %c0_i32 : i32, i32
  }
  func.func @transform_3(%arg0: i32) -> (i32, i32) {
    %c0_i32 = arith.constant 0 : i32
    %c0_i32_0 = arith.constant 0 : i32
    return %arg0, %c0_i32 : i32, i32
  }
  func.func @transform_4(%arg0: i32) -> (i32, i32) {
    %c0_i32 = arith.constant 0 : i32
    %c0_i32_0 = arith.constant 0 : i32
    %c0_i32_1 = arith.constant 0 : i32
    return %c0_i32, %c0_i32_0 : i32, i32
  }
  func.func @transform_5(%arg0: i32) -> (i32, i32) {
    %c0_i32 = arith.constant 0 : i32
    %c0_i32_0 = arith.constant 0 : i32
    %c0_i32_1 = arith.constant 0 : i32
    return %c0_i32, %c0_i32_0 : i32, i32
  }
  func.func @transform_6(%arg0: i32) -> (i32, i32) {
    %c0_i32 = arith.constant 0 : i32
    %c0_i32_0 = arith.constant 0 : i32
    return %arg0, %c0_i32 : i32, i32
  }
}

module attributes {stable_mosaic.version = 14 : i64} {
  func.func @body(%arg0: i32, %arg1: memref<1x1000x64xf32, #tpu.memory_space<vmem>>, %arg2: memref<1x1000x64xf32, #tpu.memory_space<vmem>>, %arg3: memref<1000x64xf32, #tpu.memory_space<vmem>>, %arg4: memref<1000x128xf32, #tpu.memory_space<vmem>>, %arg5: memref<1x64xf32, #tpu.memory_space<vmem>>, %arg6: memref<1000x64xf32, #tpu.memory_space<vmem>>) attributes {dimension_semantics = [#tpu.dimension_semantics<arbitrary>], iteration_bounds = array<i64: 10>, scalar_prefetch = 0 : i64, scratch_operands = 0 : i64, tpu.core_type = #tpu.core_type<tc>, window_params = [{transform_indices = @transform_0, window_bounds = array<i64: 1, 1000, 64>}, {transform_indices = @transform_1, window_bounds = array<i64: 1, 1000, 64>}, {transform_indices = @transform_2, window_bounds = array<i64: 1000, 64>}, {transform_indices = @transform_3, window_bounds = array<i64: 1000, 128>}, {pipeline_mode = #tpu.pipeline_mode<synchronous>, transform_indices = @transform_4, window_bounds = array<i64: 1, 64>}, {transform_indices = @transform_5, window_bounds = array<i64: 1000, 64>}]} {
    %get3A = arith.constant 0 : index
    %get3A_0 = arith.constant 0 : index
    %get3A_1 = vector.load %arg4[%get3A, %get3A_0] : memref<1000x128xf32, #tpu.memory_space<vmem>>, vector<1000x64xf32>
    %get3A_2 = arith.constant 0 : index
    %get3A_3 = arith.constant 0 : index
    %get3A_4 = arith.constant 0 : index
    %get3A_5 = vector.load %arg1[%get3A_2, %get3A_3, %get3A_4] : memref<1x1000x64xf32, #tpu.memory_space<vmem>>, vector<1x1000x64xf32>
    %get3A_6 = vector.shape_cast %get3A_5 : vector<1x1000x64xf32> to vector<1000x64xf32>
    %get3A_7 = arith.constant 0 : index
    %get3A_8 = arith.constant 0 : index
    %get3A_9 = arith.constant 0 : index
    %get3A_10 = vector.load %arg2[%get3A_7, %get3A_8, %get3A_9] : memref<1x1000x64xf32, #tpu.memory_space<vmem>>, vector<1x1000x64xf32>
    %get3A_11 = vector.shape_cast %get3A_10 : vector<1x1000x64xf32> to vector<1000x64xf32>
    %add3A = arith.addf %get3A_6, %get3A_11 : vector<1000x64xf32>
    %get3A_12 = arith.constant 0 : index
    %get3A_13 = arith.constant 0 : index
    %get3A_14 = vector.load %arg3[%get3A_12, %get3A_13] : memref<1000x64xf32, #tpu.memory_space<vmem>>, vector<1000x64xf32>
    %add3A_15 = arith.addf %add3A, %get3A_14 : vector<1000x64xf32>
    %mul3A = arith.mulf %get3A_1, %add3A_15 : vector<1000x64xf32>
    %get3A_16 = arith.constant 0 : index
    %get3A_17 = arith.constant 0 : index
    %get3A_18 = vector.load %arg5[%get3A_16, %get3A_17] : memref<1x64xf32, #tpu.memory_space<vmem>>, vector<1x64xf32>
    %add3A_19 = vector.broadcast %get3A_18 : vector<1x64xf32> to vector<1000x64xf32>
    %add3A_20 = arith.addf %mul3A, %add3A_19 : vector<1000x64xf32>
    %reduce_max3A = arith.constant dense<0xFF800000> : vector<1000xf32>
    %reduce_max3A_21 = vector.multi_reduction <maximumf>, %add3A_20, %reduce_max3A [1] : vector<1000x64xf32> to vector<1000xf32>
    %broadcast_in_dim3A = vector.shape_cast %reduce_max3A_21 : vector<1000xf32> to vector<1000x1xf32>
    %sub3A = vector.broadcast %broadcast_in_dim3A : vector<1000x1xf32> to vector<1000x64xf32>
    %sub3A_22 = arith.subf %add3A_20, %sub3A : vector<1000x64xf32>
    %exp3A = math.exp %sub3A_22 : vector<1000x64xf32>
    %reduce_sum3A = arith.constant dense<0.000000e+00> : vector<1000xf32>
    %reduce_sum3A_23 = vector.multi_reduction <add>, %exp3A, %reduce_sum3A [1] : vector<1000x64xf32> to vector<1000xf32>
    %broadcast_in_dim3A_24 = vector.shape_cast %reduce_sum3A_23 : vector<1000xf32> to vector<1000x1xf32>
    %log3A = math.log %broadcast_in_dim3A_24 : vector<1000x1xf32>
    %add3A_25 = arith.addf %log3A, %broadcast_in_dim3A : vector<1000x1xf32>
    %sub3A_26 = vector.broadcast %add3A_25 : vector<1000x1xf32> to vector<1000x64xf32>
    %sub3A_27 = arith.subf %add3A_20, %sub3A_26 : vector<1000x64xf32>
    %swap3A = arith.constant 0 : index
    %swap3A_28 = arith.constant 0 : index
    %swap3A_29 = vector.load %arg6[%swap3A, %swap3A_28] : memref<1000x64xf32, #tpu.memory_space<vmem>>, vector<1000x64xf32>
    tpu.vector_store %arg6[%swap3A, %swap3A_28], %sub3A_27 {strides = array<i32>} : memref<1000x64xf32, #tpu.memory_space<vmem>>, vector<1000x64xf32>,
    return
  }
  func.func @transform_0(%arg0: i32) -> (i32, i32, i32) {
    %c0_i32 = arith.constant 0 : i32
    %c0_i32_0 = arith.constant 0 : i32
    %c0_i32_1 = arith.constant 0 : i32
    return %c0_i32, %arg0, %c0_i32_0 : i32, i32, i32
  }
  func.func @transform_1(%arg0: i32) -> (i32, i32, i32) {
    %c1_i32 = arith.constant 1 : i32
    %c0_i32 = arith.constant 0 : i32
    %c0_i32_0 = arith.constant 0 : i32
    return %c1_i32, %arg0, %c0_i32 : i32, i32, i32
  }
  func.func @transform_2(%arg0: i32) -> (i32, i32) {
    %c0_i32 = arith.constant 0 : i32
    %c0_i32_0 = arith.constant 0 : i32
    return %arg0, %c0_i32 : i32, i32
  }
  func.func @transform_3(%arg0: i32) -> (i32, i32) {
    %c0_i32 = arith.constant 0 : i32
    %c0_i32_0 = arith.constant 0 : i32
    return %arg0, %c0_i32 : i32, i32
  }
  func.func @transform_4(%arg0: i32) -> (i32, i32) {
    %c0_i32 = arith.constant 0 : i32
    %c0_i32_0 = arith.constant 0 : i32
    %c0_i32_1 = arith.constant 0 : i32
    return %c0_i32, %c0_i32_0 : i32, i32
  }
  func.func @transform_5(%arg0: i32) -> (i32, i32) {
    %c0_i32 = arith.constant 0 : i32
    %c0_i32_0 = arith.constant 0 : i32
    return %arg0, %c0_i32 : i32, i32
  }
}

</mosaic_0001>

<sc_bundles>
// kernel: kernel.11.cloned.1.call-start
scs
__scs_entry_jumppad:
0x0: {  	(pc) =	sbr.rel $0x88, $3  }
0x1: {  	(tag) =	ssettag $0x0;
	lr =	simm.s32 $0x1  }
0x2: {  	[smem:$0x3F9B] =	sst lr;
	_ =	strace $0xD0000000  }
0x3: {  	_ = 	snop  }
0x4: {  	_ = 	snop  }
0x5: {  	_ = 	snop  }
0x6: {  	_ = 	snop  }
0x7: {  	_ = 	snop  }
__scs_overlays_trampoline_lowered:
0x8: {  	[smem:$0x3FAA] =	sst s0  }
0x9: {  	[smem:$0x3FAB] =	sst s1  }
0xa: {  	[smem:$0x3FAC] =	sst s2  }
0xb: {  	[smem:$0x3FAD] =	sst s3  }
0xc: {  	[smem:$0x3FAE] =	sst s4  }
0xd: {  	[smem:$0x3FAF] =	sst s5  }
0xe: {  	[smem:$0x3FB0] =	sst s6  }
0xf: {  	[smem:$0x3FB1] =	sst s7  }
0x10: {  	[smem:$0x3FB2] =	sst s8  }
0x11: {  	[smem:$0x3FB3] =	sst s9;
	s0 =	simm.s32 @!p0 $0x0  }
0x12: {  	s1 =	sld [smem:$0x3F99];
	s0 =	simm.s32 @p0 $0x1  }
0x13: {  	[smem:$0x3FB4] =	sst s0;
	s0 =	simm.s32 @!p1 $0x0  }
0x14: {  	s2 =	sld [smem:$0x3F98];
	s0 =	simm.s32 @p1 $0x1  }
0x15: {  	[smem:$0x3FB5] =	sst s0;
	s0 =	simm.s32 @!p2 $0x0  }
0x16: {  	s3 =	sld [smem:$0x3FDB];
	s0 =	simm.s32 @p2 $0x1  }
0x17: {  	s4 =	simm.s32 $0x1BF5;
	[smem:$0x3FB7] =	sst s0  }
0x18: {  	s0 =	sld [smem:$0x3F9A];
	_ =	swait.ge [sflag:s4], $0x0  }
0x19: {  	s7 =	sld [smem:$0x3F9B]  }
0x1a: {  	s8 =	sadd.s32 $0xFFFFE003, lr  }
0x1b: {  	s9 =	sadd.s32 $0xFFFFFEF7, lr;
	s5 =	simm.s32 $0xFFFFFFFF;
	p2 =	slt.u32 s8, $0xFFFFF086  }
0x1c: {  	p1 =	slt.u32 s9, $0xF7A;
	s5 =	simm.s32 @!p2 $0x0  }
0x1d: {  	s5 =	simm.s32 @p1 $0x1;
	p0 =	seq.s32 s7, s2  }
0x1e: {  	s7 =	smul.u32 @!p0 $0xF7A, s2;
	p2 =	seq.s32 @!p0 s5, $0x0  }
0x1f: {  	s9 =	smul.u32 $0xF7A, s1;
	s8 =	simm.s32 @!p0 $0x1BF5;
	p2 =	por !p2, p0  }
0x20: {  	[sflag:s8] =	ssyncset.s32 @!p0 $0xFFFFF086;
	s6 =	sadd.s32 @!p0 s3, s7;
	s7 =	simm.s32 @!p0 $0x108  }
0x21: {  	s3 =	sadd.s32 s3, s9;
	s6 =	sadd.s32 @!p0 $0x88, s6;
	s7 =	simm.s32 @p2 $0x1082  }
0x22: {  	[simem:s7], [sflag:s8] =	dma.local @!p0 [hbm:s6], $0xF7A  }
0x23: {  	s9 =	sor.u32 $0xD0000000, s2;
	s6 =	simm.s32 $0x108;
	_ =	swait.ge @!p0 [sflag:s8], $0x0  }
0x24: {  	s3 =	sadd.s32 $0x88, s3;
	s6 =	simm.s32 @!p1 $0x1082;
	[sflag:s4] =	ssyncset.s32 $0xFFFFF086  }
0x25: {  	[simem:s6], [sflag:s4] =	dma.local [hbm:s3], $0xF7A  }
0x26: {  	[smem:$0x3F9B] =	sst s1;
	(tag) =	ssettag s2;
	_ =	strace s9  }
0x27: {  	s1 =	sld [smem:$0x3FAB]  }
0x28: {  	s2 =	sld [smem:$0x3FAC]  }
0x29: {  	s4 =	sld [smem:$0x3FAE]  }
0x2a: {  	p0 =	seq.s32 s5, $0x0;
	s5 =	sld [smem:$0x3FAF]  }
0x2b: {  	s6 =	sld [smem:$0x3FB0]  }
0x2c: {  	s7 =	sld [smem:$0x3FB1]  }
0x2d: {  	s3 =	simm.s32 $0x108;
	s8 =	sld [smem:$0x3FB2]  }
0x2e: {  	s3 =	simm.s32 @!p0 $0x1082;
	s9 =	sld [smem:$0x3FB3]  }
0x2f: {  	lr =	sadd.s32 s0, s3;
	s0 =	sld [smem:$0x3FAA]  }
0x30: {  	s3 =	sld [smem:$0x3FAD]  }
0x31: {  	[smem:$0x3FB6] =	sst s10  }
0x32: {  	s10 =	sld [smem:$0x3FB4];
	_ =	sdelay $0x3  }
0x33: {  	p0 =	seq.s32 s10, $0x1;
	s10 =	sld [smem:$0x3FB6];
	_ =	sdelay $0x3  }
0x34: {  	[smem:$0x3FB6] =	sst s10  }
0x35: {  	s10 =	sld [smem:$0x3FB5];
	_ =	sdelay $0x3  }
0x36: {  	p1 =	seq.s32 s10, $0x1;
	s10 =	sld [smem:$0x3FB6];
	_ =	sdelay $0x3  }
0x37: {  	[smem:$0x3FB6] =	sst s10  }
0x38: {  	s10 =	sld [smem:$0x3FB7]  }
0x39: {  	_ = 	snop;
	(pc) =	sbr.ind lr, $3  }
0x3a: {  	_ = 	snop  }
0x3b: {  	_ = 	snop  }
0x3c: {  	p2 =	seq.s32 s10, $0x1;
	s10 =	sld [smem:$0x3FB6]  }
0x3d: {  	_ =	shalt  }
0x3e: {  	_ =	shalt  }
0x3f: {  	_ =	shalt  }
0x40: {  	_ =	shalt  }
0x41: {  	_ =	shalt  }
0x42: {  	_ =	shalt  }
0x43: {  	_ =	shalt  }
0x44: {  	_ =	shalt  }
0x45: {  	_ =	shalt  }
0x46: {  	_ =	shalt  }
0x47: {  	_ =	shalt  }
0x48: {  	_ =	shalt  }
0x49: {  	_ =	shalt  }
0x4a: {  	_ =	shalt  }
0x4b: {  	_ =	shalt  }
0x4c: {  	_ =	shalt  }
0x4d: {  	_ =	shalt  }
0x4e: {  	_ =	shalt  }
0x4f: {  	_ =	shalt  }
0x50: {  	_ =	shalt  }
0x51: {  	_ =	shalt  }
0x52: {  	_ =	shalt  }
0x53: {  	_ =	shalt  }
0x54: {  	_ =	shalt  }
0x55: {  	_ =	shalt  }
0x56: {  	_ =	shalt  }
0x57: {  	_ =	shalt  }
0x58: {  	_ =	shalt  }
0x59: {  	_ =	shalt  }
0x5a: {  	_ =	shalt  }
0x5b: {  	_ =	shalt  }
0x5c: {  	_ =	shalt  }
0x5d: {  	_ =	shalt  }
0x5e: {  	_ =	shalt  }
0x5f: {  	_ =	shalt  }
0x60: {  	_ =	shalt  }
0x61: {  	_ =	shalt  }
0x62: {  	_ =	shalt  }
0x63: {  	_ =	shalt  }
0x64: {  	_ =	shalt  }
0x65: {  	_ =	shalt  }
0x66: {  	_ =	shalt  }
0x67: {  	_ =	shalt  }
0x68: {  	_ =	shalt  }
0x69: {  	_ =	shalt  }
0x6a: {  	_ =	shalt  }
0x6b: {  	_ =	shalt  }
0x6c: {  	_ =	shalt  }
0x6d: {  	_ =	shalt  }
0x6e: {  	_ =	shalt  }
0x6f: {  	_ =	shalt  }
0x70: {  	_ =	shalt  }
0x71: {  	_ =	shalt  }
0x72: {  	_ =	shalt  }
0x73: {  	_ =	shalt  }
0x74: {  	_ =	shalt  }
0x75: {  	_ =	shalt  }
0x76: {  	_ =	shalt  }
0x77: {  	_ =	shalt  }
0x78: {  	_ =	shalt  }
0x79: {  	_ =	shalt  }
0x7a: {  	_ =	shalt  }
0x7b: {  	_ =	shalt  }
0x7c: {  	_ =	shalt  }
0x7d: {  	_ =	shalt  }
0x7e: {  	_ =	shalt  }
0x7f: {  	_ =	shalt  }
0x80: {  	_ =	shalt  }
0x81: {  	_ =	shalt  }
0x82: {  	_ =	shalt  }
0x83: {  	_ =	shalt  }
0x84: {  	_ =	shalt  }
0x85: {  	_ =	shalt  }
0x86: {  	_ =	shalt  }
0x87: {  	_ =	shalt  }
.Lfunc_end0:
.L_simem_size_0:
called_computation.1_lowered:
.L_overlay_start_0:
0x88: {  	s2 =	sld [smem:$0x3FD9]  }
0x89: {  	s3 =	sld [smem:$0x3FFE];
	_ =	sdelay $0x1  }
0x8a: {  	s1 =	srdreg.scid  }
0x8b: {  	s0 =	sand.u32 $0x1, s1  }
0x8c: {  	s17 =	sshll.u32 s0, $0xA;
	s2 =	sadd.s32 s3, s2  }
0x8d: {  	s2 =	sadd.s32 s2, s17  }
0x8e: {  	[smem:$0x3FC2] =	sst s2  }
0x8f: {  	_ = 	snop  }
0x90: {  	s2 =	sld [smem:$0x3FD0];
	(tm) =	ssettm $0x1  }
0x91: {  	s18 =	sld [smem:$0x3FFB];
	_ =	sdelay $0x3  }
0x92: {  	_ =	strace s18  }
0x93: {  	s3 =	sld [smem:$0x3FFC];
	_ =	sdelay $0x3  }
0x94: {  	_ =	strace s3  }
0x95: {  	s3 =	sld [smem:$0x3FFD];
	_ =	sdelay $0x3  }
0x96: {  	_ =	strace s3  }
0x97: {  	_ =	strace $0x8FFFFFFF  }
0x98: {  	s19 =	sld [smem:$0x3FDB];
	_ =	sdelay $0x1  }
0x99: {  	s4 =	simm.s32 $_scs_section_size  }
0x9a: {  	s5 =	simm.s32 $_size__tile_overlayer_lowered;
	s6 =	simm.s32 $_tile_overlayer_lowered  }
0x9b: {  	s22 =	simm.s32 $0x1BFF;
	s21 =	sshll.u32 s6, $0x1;
	s3 =	sadd.s32 s4, s19  }
0x9c: {  	s7 =	simm.s32 $0x0;
	s20 =	sshll.u32 s5, $0x1;
	s5 =	sadd.s32 s21, s3  }
0x9d: {  	[timem:s7], [sflag:s22] =	dma.local [hbm:s5], s20  }
0x9e: {  	_ =	swait.ge [sflag:s22], s20  }
0x9f: {  	s4 =	ssub.s32 $0x0, s20;
	[sflag:s22] =	ssyncset.done $0x0  }
0xa0: {  	[sflag:s22] =	ssyncadd.s32 s4;
	_ =	sdelay $0x1  }
0xa1: {  	s23 =	simm.s32 $0x1B8B  }
0xa2: {  	_ =	swait.ge [sflag:s23], $0x1  }
0xa3: {  	[sflag:s23] =	ssyncset.done $0x0  }
0xa4: {  	s25 =	simm.s32 $0x1B8E;
	s24 =	sld [smem:$0x3FFE];
	[sflag:s23] =	ssyncadd.s32 $0xFFFFFFFF  }
0xa5: {  	s26 =	simm.s32 $execute0_lowered;
	[smem:$0x3FD2] =	sst s25  }
0xa6: {  	s5 =	sshll.u32 s26, $0x1;
	_ =	strace $0x80000049;
	[dreg:$0x1] =	wrdreg $0xFFFFFFFF  }
0xa7: {  	s28 =	simm.s32 $_size_execute0_lowered;
	s3 =	sadd.s32 s3, s5;
	[dreg:$0x0] =	wrdreg $0x0  }
0xa8: {  	s5 =	sshll.u32 s28, $0x1;
	[dreg:$0x2] =	wrdreg s3  }
0xa9: {  	[dreg:$0x3] =	wrdreg s5  }
0xaa: {  	[dreg:$0x4] =	wrdreg $0xC0  }
0xab: {  	_ =	task [dreg:s7], $0x5FFFF  }
0xac: {  	[dreg:$0x1] =	wrdreg $0xFFFFFFFF  }
0xad: {  	[dreg:$0x0] =	wrdreg $0x60  }
0xae: {  	[dreg:$0x2] =	wrdreg s2  }
0xaf: {  	[dreg:$0x3] =	wrdreg s24  }
0xb0: {  	[dreg:$0x4] =	wrdreg $0x64000  }
0xb1: {  	[dreg:$0x5] =	wrdreg $0x9  }
0xb2: {  	_ =	task.clear_ibuf [dreg:s7], $0x6FFFF;
	_ =	strace $0x90000049  }
0xb3: {  	s29 =	simm.s32 $0x9;
	_ =	strace $0x8000004B  }
0xb4: {  	_ =	swait.ge [sflag:s29], $0x1  }
0xb5: {  	[sflag:s29] =	ssyncadd.s32 $0xFFFFFFFF  }
0xb6: {  	_ =	strace $0x9000004B  }
0xb7: {  	_ =	sfence  }
0xb8: {  	s30 =	sld [smem:$0x0];
	_ =	sdelay $0x2  }
0xb9: {  	s31 =	sshll.u32 s1, $0xD;
	s1 =	sshrl.u32 s1, $0x2  }
0xba: {  	s3 =	sand.u32 $0x4000, s31;
	s1 =	sadd.s32 s1, s30  }
0xbb: {  	s0 =	sor.u32 s3, s0;
	s1 =	sshll.u32 s1, $0x11  }
0xbc: {  	s0 =	sor.u32 s1, s0  }
0xbd: {  	s0 =	sadd.s32 $0x8F2B, s0  }
0xbe: {  	[sflag:s0] =	ssyncadd.remote.s32 $0x1  }
0xbf: {  	_ =	sfence.sel $0xFFFF  }
0xc0: {  	[dreg:$0x0] =	wrdreg $0xFFFFFFFF;
	(pc) =	sbr.abs _section_cstart, $3  }
0xc1: {  	[dreg:$0x1] =	wrdreg $0xFFFFFFFF  }
0xc2: {  	_ =	task.clear_ibuf [dreg:s7], $0x2FFFF;
	_ =	strace $0x9FFFFFFF  }
0xc3: {  	(tm) =	ssettm $0x7FFFFFFF  }
tec
execute0_lowered:
.L_overlay_start_1:
0x0: {  	(tag) =	ssettag $0x1  }
0x1: {  	s2 =	rddreg [dreg:$0x0]  }
0x2: {  	s0 =	rddreg [dreg:$0x1]  }
0x3: {  	s3 =	rddreg [dreg:$0x2]  }
0x4: {  	s12 =	stileid.u32;
	s1 =	srdreg.scid;
	s4 =	simm.s32 $0x0  }
0x5: {  	s13 =	simm.s32 $0x9;
	s14 =	simm.s32 $0xA00;
	s15 =	simm.s32 $0x50  }
0x6: {  	s16 =	simm.s32 $0x1400;
	s17 =	simm.s32 $0x2800;
	s18 =	simm.s32 $0xA0  }
0x7: {  	s19 =	simm.s32 $0x3C00;
	s20 =	simm.s32 $0xF0;
	s21 =	simm.s32 $0x5000  }
0x8: {  	s22 =	simm.s32 $0x1;
	s23 =	simm.s32 $0x2;
	s28 =	simm.s32 $0x6  }
0x9: {  	s29 =	simm.s32 $0x7;
	s30 =	simm.s32 $0x8;
	s31 =	simm.s32 $0x12C0  }
0xa: {  	s7 =	smul.u32 $0xA000, s12;
	s1 =	sand.u32 $0x1, s1;
	[smem:$0x7FF] =	sst s4  }
0xb: {  	s5 =	sadd.s32 $0xBAC00, s0;
	s6 =	sadd.s32 $0xB0C00, s0;
	s25 =	sshll.u32 s12, $0x6  }
0xc: {  	s8 =	smul.u32 $0xA0000, s1;
	_ =	strace $0x8000004A;
	s10 =	ssub.s32 $0x2, s1  }
0xd: {  	s1 =	sshll.u32 s1, $0x4;
	s9 =	sshrl.u32 s7, $0x3;
	s11 =	sshrl.u32 s10, $0x1  }
0xe: {  	s1 =	sor.u32 s12, s1;
	s8 =	sadd.s32 s7, s8;
	s9 =	sadd.s32 s9, s0  }
0xf: {  	s24 =	ssub.s32 s10, s11;
	s7 =	sadd.s32 s7, s3;
	s10 =	sor.u32 $0x1C09, s25  }
0x10: {  	s25 =	simm.s32 $0x4;
	s8 =	sshrl.u32 s8, $0x3;
	s9 =	sadd.s32 $0x1A00, s9  }
0x11: {  	s26 =	smax.u32 s24, $0x1;
	s11 =	sshrl.u32 s7, $0x3;
	[dreg:$0x5] =	wrdreg s10  }
0x12: {  	s24 =	simm.s32 $0x3;
	s7 =	simm.s32 $0x13B0;
	[dreg:$0x4] =	wrdreg s9  }
0x13: {  	s0 =	sadd.s32 s8, s0;
	s9 =	smul.u32 $0x2800, s1;
	[dreg:$0x7] =	wrdreg s26  }
0x14: {  	s26 =	simm.s32 $0x5;
	[dreg:$0x8] =	wrdreg s11;
	s0 =	sadd.s32 $0x15A00, s0  }
0x15: {  	s1 =	simm.s32 $0x1360;
	[dreg:$0x6] =	wrdreg s0;
	s0 =	simm.s32 $0x1310  }
.LBB2_1:
0x16: {  	s8 =	rddreg [dreg:$0x4]  }
0x17: {  	[spmem:s11], [sflag:s10] =	dma.local [hbm:s8], $0x1400  }
0x18: {  	_ =	swait.ge [sflag:s13], $0x1400  }
0x19: {  	[sflag:s13] =	ssyncset.done $0x0  }
0x1a: {  	[sflag:s13] =	ssyncadd.s32 $0xFFFFEC00  }
0x1b: {  	s10 =	simm.s32 $0x0;
	[bflag:$0x0] =	sbarrier.arrive $0xFFFF  }
.LBB2_2:
0x1c: {  	s8 =	smul.u32 $0xA00, s10;
	_ =	sdelay $0x1  }
0x1d: {  	s8 =	sadd.s32 s9, s8  }
0x1e: {  	s8 =	sshrl.u32 s8, $0x3  }
0x1f: {  	s12 =	simm.s32 $0x0;
	s11 =	sadd.s32 s5, s8  }
0x20: {  	[tilespmem:s12], [sflag:$0x9] =	stream.linear.gather [hbm4b:s11+s12], $0xA00, $0x38;
	[tilespmem:$0x10400] =	vst v63  }
0x21: {  	_ =	swait.ge [sflag:s13], $0xA00  }
0x22: {  	[sflag:s13] =	ssyncset.done $0x0  }
0x23: {  	s8 =	sadd.s32 s6, s8;
	[sflag:s13] =	ssyncadd.s32 $0xFFFFF600  }
0x24: {  	[tilespmem:s14], [sflag:$0x9] =	stream.linear.gather [hbm4b:s8+s12], $0xA00, $0x38;
	[tilespmem:$0x10400] =	vst v63  }
0x25: {  	_ =	swait.ge [sflag:s13], $0xA00  }
0x26: {  	[sflag:s13] =	ssyncset.done $0x0  }
0x27: {  	[sflag:s13] =	ssyncadd.s32 $0xFFFFF600  }
0x28: {  	[tilespmem:s16], [sflag:$0x1] =	stream.indirect.gather [hbm4b:s2+s15], $0x40, s12, s15, $0xb8;
	[tilespmem:$0x10400] =	vst v63  }
0x29: {  	_ = 	snop  }
0x2a: {  	[tilespmem:s17], [sflag:$0x2] =	stream.indirect.gather [hbm4b:s2+s15], $0x40, s15, s15, $0xb8;
	[tilespmem:$0x10400] =	vst v63  }
0x2b: {  	_ = 	snop  }
0x2c: {  	[tilespmem:s19], [sflag:$0x3] =	stream.indirect.gather [hbm4b:s2+s15], $0x40, s18, s15, $0xb8;
	[tilespmem:$0x10400] =	vst v63  }
0x2d: {  	_ = 	snop  }
0x2e: {  	[tilespmem:s21], [sflag:$0x4] =	stream.indirect.gather [hbm4b:s2+s15], $0x40, s20, s15, $0xb8;
	[tilespmem:$0x10400] =	vst v63  }
0x2f: {  	_ =	swait.ge [sflag:s22], $0x1400  }
0x30: {  	[sflag:s22] =	ssyncset.done $0x0  }
0x31: {  	s12 =	simm.s32 $0xA00;
	[sflag:s22] =	ssyncadd.s32 $0xFFFFEC00  }
0x32: {  	[spmem:s3] =	stream.indirect.scatter.add.f32 [tilespmem:s16], [sflag:$0x5], $0x40, s12, s15, $0xb8;
	[tilespmem:$0x10400] =	vst v63  }
0x33: {  	_ =	swait.ge [sflag:s23], $0x1400  }
0x34: {  	[sflag:s23] =	ssyncset.done $0x0  }
0x35: {  	s11 =	simm.s32 $0xA50;
	[sflag:s23] =	ssyncadd.s32 $0xFFFFEC00  }
0x36: {  	[spmem:s3] =	stream.indirect.scatter.add.f32 [tilespmem:s17], [sflag:$0x6], $0x40, s11, s15, $0xb8;
	[tilespmem:$0x10400] =	vst v63  }
0x37: {  	_ =	swait.ge [sflag:s24], $0x1400  }
0x38: {  	[sflag:s24] =	ssyncset.done $0x0  }
0x39: {  	s12 =	simm.s32 $0xAA0;
	[sflag:s24] =	ssyncadd.s32 $0xFFFFEC00  }
0x3a: {  	[spmem:s3] =	stream.indirect.scatter.add.f32 [tilespmem:s19], [sflag:$0x7], $0x40, s12, s15, $0xb8;
	[tilespmem:$0x10400] =	vst v63  }
0x3b: {  	_ =	swait.ge [sflag:s25], $0x1400  }
0x3c: {  	[sflag:s25] =	ssyncset.done $0x0  }
0x3d: {  	s11 =	simm.s32 $0xAF0;
	[sflag:s25] =	ssyncadd.s32 $0xFFFFEC00  }
0x3e: {  	[spmem:s3] =	stream.indirect.scatter.add.f32 [tilespmem:s21], [sflag:$0x8], $0x40, s11, s15, $0xb8;
	[tilespmem:$0x10400] =	vst v63  }
0x3f: {  	_ =	swait.ge [sflag:s26], $0x1400  }
0x40: {  	[sflag:s26] =	ssyncset.done $0x0  }
0x41: {  	s12 =	simm.s32 $0x140;
	[sflag:s26] =	ssyncadd.s32 $0xFFFFEC00  }
0x42: {  	[tilespmem:s16], [sflag:$0x1] =	stream.indirect.gather [hbm4b:s2+s15], $0x40, s12, s15, $0xb8;
	[tilespmem:$0x10400] =	vst v63  }
0x43: {  	_ =	swait.ge [sflag:s28], $0x1400  }
0x44: {  	[sflag:s28] =	ssyncset.done $0x0  }
0x45: {  	s11 =	simm.s32 $0x190;
	[sflag:s28] =	ssyncadd.s32 $0xFFFFEC00  }
0x46: {  	[tilespmem:s17], [sflag:$0x2] =	stream.indirect.gather [hbm4b:s2+s15], $0x40, s11, s15, $0xb8;
	[tilespmem:$0x10400] =	vst v63  }
0x47: {  	_ =	swait.ge [sflag:s29], $0x1400  }
0x48: {  	[sflag:s29] =	ssyncset.done $0x0  }
0x49: {  	s12 =	simm.s32 $0x1E0;
	[sflag:s29] =	ssyncadd.s32 $0xFFFFEC00  }
0x4a: {  	[tilespmem:s19], [sflag:$0x3] =	stream.indirect.gather [hbm4b:s2+s15], $0x40, s12, s15, $0xb8;
	[tilespmem:$0x10400] =	vst v63  }
0x4b: {  	_ =	swait.ge [sflag:s30], $0x1400  }
0x4c: {  	[sflag:s30] =	ssyncset.done $0x0  }
0x4d: {  	s8 =	simm.s32 $0x230;
	s11 =	simm.s32 $0x500;
	[sflag:s30] =	ssyncadd.s32 $0xFFFFEC00  }
.LBB2_3:
0x4e: {  	[tilespmem:s21], [sflag:$0x4] =	stream.indirect.gather [hbm4b:s2+s15], $0x40, s8, s15, $0xb8;
	[tilespmem:$0x10400] =	vst v63  }
0x4f: {  	s8 =	smov.u32 s11  }
0x50: {  	p0 =	sne.s32 s11, $0x1E00;
	s11 =	sadd.s32 $0x500, s11;
	_ =	swait.ge [sflag:s22], $0x1400  }
0x51: {  	s8 =	sshra.s32 s8, $0x2;
	[sflag:s22] =	ssyncset.done $0x0  }
0x52: {  	s12 =	sadd.s32 $0xA00, s8;
	[sflag:s22] =	ssyncadd.s32 $0xFFFFEC00  }
0x53: {  	[spmem:s3] =	stream.indirect.scatter.add.f32 [tilespmem:s16], [sflag:$0x5], $0x40, s12, s15, $0xb8;
	[tilespmem:$0x10400] =	vst v63  }
0x54: {  	_ =	swait.ge [sflag:s23], $0x1400  }
0x55: {  	[sflag:s23] =	ssyncset.done $0x0  }
0x56: {  	s12 =	sadd.s32 $0xA50, s8;
	[sflag:s23] =	ssyncadd.s32 $0xFFFFEC00  }
0x57: {  	[spmem:s3] =	stream.indirect.scatter.add.f32 [tilespmem:s17], [sflag:$0x6], $0x40, s12, s15, $0xb8;
	[tilespmem:$0x10400] =	vst v63  }
0x58: {  	_ =	swait.ge [sflag:s24], $0x1400  }
0x59: {  	[sflag:s24] =	ssyncset.done $0x0  }
0x5a: {  	s12 =	sadd.s32 $0xAA0, s8;
	[sflag:s24] =	ssyncadd.s32 $0xFFFFEC00  }
0x5b: {  	[spmem:s3] =	stream.indirect.scatter.add.f32 [tilespmem:s19], [sflag:$0x7], $0x40, s12, s15, $0xb8;
	[tilespmem:$0x10400] =	vst v63  }
0x5c: {  	_ =	swait.ge [sflag:s25], $0x1400  }
0x5d: {  	[sflag:s25] =	ssyncset.done $0x0  }
0x5e: {  	s12 =	sadd.s32 $0xAF0, s8;
	[sflag:s25] =	ssyncadd.s32 $0xFFFFEC00  }
0x5f: {  	[spmem:s3] =	stream.indirect.scatter.add.f32 [tilespmem:s21], [sflag:$0x8], $0x40, s12, s15, $0xb8;
	[tilespmem:$0x10400] =	vst v63  }
0x60: {  	_ =	swait.ge [sflag:s26], $0x1400  }
0x61: {  	[sflag:s26] =	ssyncset.done $0x0  }
0x62: {  	s12 =	sadd.s32 $0x140, s8;
	[sflag:s26] =	ssyncadd.s32 $0xFFFFEC00  }
0x63: {  	[tilespmem:s16], [sflag:$0x1] =	stream.indirect.gather [hbm4b:s2+s15], $0x40, s12, s15, $0xb8;
	[tilespmem:$0x10400] =	vst v63  }
0x64: {  	_ =	swait.ge [sflag:s28], $0x1400  }
0x65: {  	[sflag:s28] =	ssyncset.done $0x0  }
0x66: {  	s12 =	sadd.s32 $0x190, s8;
	[sflag:s28] =	ssyncadd.s32 $0xFFFFEC00  }
0x67: {  	[tilespmem:s17], [sflag:$0x2] =	stream.indirect.gather [hbm4b:s2+s15], $0x40, s12, s15, $0xb8;
	[tilespmem:$0x10400] =	vst v63  }
0x68: {  	_ =	swait.ge [sflag:s29], $0x1400  }
0x69: {  	[sflag:s29] =	ssyncset.done $0x0  }
.Ltmp0:
0x6a: {  	s12 =	sadd.s32 $0x1E0, s8;
	[sflag:s29] =	ssyncadd.s32 $0xFFFFEC00;
	(pc) =	sbr.rel @p0 .LBB2_3-.Ltmp0, $4  }
0x6b: {  	[tilespmem:s19], [sflag:$0x3] =	stream.indirect.gather [hbm4b:s2+s15], $0x40, s12, s15, $0xb8;
	[tilespmem:$0x10400] =	vst v63  }
0x6c: {  	_ =	swait.ge [sflag:s30], $0x1400  }
0x6d: {  	[sflag:s30] =	ssyncset.done $0x0  }
0x6e: {  	s8 =	sadd.s32 $0x230, s8;
	[sflag:s30] =	ssyncadd.s32 $0xFFFFEC00  }
0x6f: {  	[tilespmem:s21], [sflag:$0x4] =	stream.indirect.gather [hbm4b:s2+s15], $0x40, s8, s15, $0xb8;
	[tilespmem:$0x10400] =	vst v63  }
0x70: {  	_ =	swait.ge [sflag:s22], $0x1400  }
0x71: {  	[sflag:s22] =	ssyncset.done $0x0  }
0x72: {  	[sflag:s22] =	ssyncadd.s32 $0xFFFFEC00  }
0x73: {  	[spmem:s3] =	stream.indirect.scatter.add.f32 [tilespmem:s16], [sflag:$0x5], $0x40, s31, s15, $0xb8;
	[tilespmem:$0x10400] =	vst v63  }
0x74: {  	_ =	swait.ge [sflag:s23], $0x1400  }
0x75: {  	[sflag:s23] =	ssyncset.done $0x0  }
0x76: {  	[sflag:s23] =	ssyncadd.s32 $0xFFFFEC00  }
0x77: {  	[spmem:s3] =	stream.indirect.scatter.add.f32 [tilespmem:s17], [sflag:$0x6], $0x40, s0, s15, $0xb8;
	[tilespmem:$0x10400] =	vst v63  }
0x78: {  	_ =	swait.ge [sflag:s24], $0x1400  }
0x79: {  	[sflag:s24] =	ssyncset.done $0x0  }
0x7a: {  	[sflag:s24] =	ssyncadd.s32 $0xFFFFEC00  }
0x7b: {  	[spmem:s3] =	stream.indirect.scatter.add.f32 [tilespmem:s19], [sflag:$0x7], $0x40, s1, s15, $0xb8;
	[tilespmem:$0x10400] =	vst v63  }
0x7c: {  	_ =	swait.ge [sflag:s25], $0x1400  }
0x7d: {  	[sflag:s25] =	ssyncset.done $0x0  }
0x7e: {  	[sflag:s25] =	ssyncadd.s32 $0xFFFFEC00  }
0x7f: {  	[spmem:s3] =	stream.indirect.scatter.add.f32 [tilespmem:s21], [sflag:$0x8], $0x40, s7, s15, $0xb8;
	[tilespmem:$0x10400] =	vst v63  }
0x80: {  	_ =	swait.ge [sflag:s26], $0x1400  }
0x81: {  	[sflag:s26] =	ssyncset.done $0x0  }
0x82: {  	[sflag:s26] =	ssyncadd.s32 $0xFFFFEC00  }
0x83: {  	_ =	swait.ge [sflag:s28], $0x1400  }
0x84: {  	[sflag:s28] =	ssyncset.done $0x0  }
0x85: {  	s10 =	sadd.s32 $0x1, s10;
	[sflag:s28] =	ssyncadd.s32 $0xFFFFEC00  }
0x86: {  	p0 =	sne.s32 s10, $0x4;
	_ =	swait.ge [sflag:s29], $0x1400  }
.Ltmp1:
0x87: {  	[sflag:s29] =	ssyncset.done $0x0;
	(pc) =	sbr.rel @p0 .LBB2_2-.Ltmp1, $4  }
0x88: {  	[sflag:s29] =	ssyncadd.s32 $0xFFFFEC00  }
0x89: {  	_ =	swait.ge [sflag:s30], $0x1400  }
0x8a: {  	[sflag:s30] =	ssyncset.done $0x0  }
0x8b: {  	[sflag:s30] =	ssyncadd.s32 $0xFFFFEC00  }
0x8c: {  	[bflag:$0x0] =	sbarrier.arrive $0xFFFF  }
0x8d: {  	s10 =	rddreg [dreg:$0x5]  }
0x8e: {  	s8 =	rddreg [dreg:$0x6]  }
0x8f: {  	s11 =	rddreg [dreg:$0x8]  }
0x90: {  	[hbm:s8], [sflag:s10] =	dma.local [spmem:s11], $0x1400  }
0x91: {  	_ =	swait.ge [sflag:s13], $0x1400  }
0x92: {  	s4 =	sadd.s32 $0x1, s4;
	s12 =	rddreg [dreg:$0x7]  }
0x93: {  	p0 =	sne.s32 s4, s12  }
.Ltmp2:
0x94: {  	_ = 	snop;
	(pc) =	sbr.rel @p0 .LBB2_1-.Ltmp2, $3  }
0x95: {  	_ =	sdelay $0x1  }
0x96: {  	[sflag:s13] =	ssyncset.done $0x0  }
0x97: {  	[sflag:s13] =	ssyncadd.s32 $0xFFFFEC00  }
0x98: {  	_ =	sfence.sel $0x180000  }
0x99: {  	[bflag:$0x0] =	sbarrier.arrive $0xFFFF  }
0x9a: {  	_ =	strace $0x9000004A  }
0x9b: {  	s0 =	stileid.u32;
	[bflag:$0x2] =	sbarrier.arrive $0xFFFF  }
0x9c: {  	p0 =	sne.s32 s0, $0x0;
	s0 =	rddreg [dreg:$0x3]  }
0x9d: {  	s0 =	sadd.s32 @!p0 $0x100000, s0  }
0x9e: {  	[sflag:s0] =	ssyncadd.tile.s32 @!p0 $0x1;
	_ =	shalt  }
.Lfunc_end2:
_tile_overlayer_lowered:
.L_overlay_start_2:
0x9f: {  	(tag) =	ssettag $0x2  }
0xa0: {  	s0 =	rddreg [dreg:$0x0];
	s2 =	stileid.u32  }
0xa1: {  	s1 =	rddreg [dreg:$0x1];
	p0 =	sne.s32 s2, $0x0  }
0xa2: {  	s3 =	rddreg [dreg:$0x2];
	[bflag:$0x3] =	sbarrier.arrive $0xFFFF;
	s2 =	simm.s32 @!p0 $0x1C09  }
0xa3: {  	[timem:s3], [sflag:s2] =	dma.local @!p0 [hbm:s0], s1  }
0xa4: {  	s0 =	simm.s32 @!p0 $0x9  }
0xa5: {  	_ =	swait.ge @!p0 [sflag:s0], s1  }
0xa6: {  	s1 =	ssub.s32 @!p0 $0x0, s1;
	[sflag:s0] =	ssyncset.done @!p0 $0x0  }
0xa7: {  	[sflag:s0] =	ssyncadd.s32 @!p0 s1  }
0xa8: {  	[bflag:$0x3] =	sbarrier.arrive $0xFFFF  }
0xa9: {  	_ =	shalt  }

// kernel: kernel.8.cloned.1.call-start
scs
__scs_entry_jumppad:
0x0: {  	(pc) =	sbr.rel $0x88, $3  }
0x1: {  	(tag) =	ssettag $0x0;
	lr =	simm.s32 $0x1  }
0x2: {  	[smem:$0x3F9B] =	sst lr;
	_ =	strace $0xD0000000  }
0x3: {  	_ = 	snop  }
0x4: {  	_ = 	snop  }
0x5: {  	_ = 	snop  }
0x6: {  	_ = 	snop  }
0x7: {  	_ = 	snop  }
__scs_overlays_trampoline_lowered:
0x8: {  	[smem:$0x3FAA] =	sst s0  }
0x9: {  	[smem:$0x3FAB] =	sst s1  }
0xa: {  	[smem:$0x3FAC] =	sst s2  }
0xb: {  	[smem:$0x3FAD] =	sst s3  }
0xc: {  	[smem:$0x3FAE] =	sst s4  }
0xd: {  	[smem:$0x3FAF] =	sst s5  }
0xe: {  	[smem:$0x3FB0] =	sst s6  }
0xf: {  	[smem:$0x3FB1] =	sst s7  }
0x10: {  	[smem:$0x3FB2] =	sst s8  }
0x11: {  	[smem:$0x3FB3] =	sst s9;
	s0 =	simm.s32 @!p0 $0x0  }
0x12: {  	s1 =	sld [smem:$0x3F99];
	s0 =	simm.s32 @p0 $0x1  }
0x13: {  	[smem:$0x3FB4] =	sst s0;
	s0 =	simm.s32 @!p1 $0x0  }
0x14: {  	s2 =	sld [smem:$0x3F98];
	s0 =	simm.s32 @p1 $0x1  }
0x15: {  	[smem:$0x3FB5] =	sst s0;
	s0 =	simm.s32 @!p2 $0x0  }
0x16: {  	s3 =	sld [smem:$0x3FDB];
	s0 =	simm.s32 @p2 $0x1  }
0x17: {  	s4 =	simm.s32 $0x1BF5;
	[smem:$0x3FB7] =	sst s0  }
0x18: {  	s0 =	sld [smem:$0x3F9A];
	_ =	swait.ge [sflag:s4], $0x0  }
0x19: {  	s7 =	sld [smem:$0x3F9B]  }
0x1a: {  	s8 =	sadd.s32 $0xFFFFE003, lr  }
0x1b: {  	s9 =	sadd.s32 $0xFFFFFEF7, lr;
	s5 =	simm.s32 $0xFFFFFFFF;
	p2 =	slt.u32 s8, $0xFFFFF086  }
0x1c: {  	p1 =	slt.u32 s9, $0xF7A;
	s5 =	simm.s32 @!p2 $0x0  }
0x1d: {  	s5 =	simm.s32 @p1 $0x1;
	p0 =	seq.s32 s7, s2  }
0x1e: {  	s7 =	smul.u32 @!p0 $0xF7A, s2;
	p2 =	seq.s32 @!p0 s5, $0x0  }
0x1f: {  	s9 =	smul.u32 $0xF7A, s1;
	s8 =	simm.s32 @!p0 $0x1BF5;
	p2 =	por !p2, p0  }
0x20: {  	[sflag:s8] =	ssyncset.s32 @!p0 $0xFFFFF086;
	s6 =	sadd.s32 @!p0 s3, s7;
	s7 =	simm.s32 @!p0 $0x108  }
0x21: {  	s3 =	sadd.s32 s3, s9;
	s6 =	sadd.s32 @!p0 $0x88, s6;
	s7 =	simm.s32 @p2 $0x1082  }
0x22: {  	[simem:s7], [sflag:s8] =	dma.local @!p0 [hbm:s6], $0xF7A  }
0x23: {  	s9 =	sor.u32 $0xD0000000, s2;
	s6 =	simm.s32 $0x108;
	_ =	swait.ge @!p0 [sflag:s8], $0x0  }
0x24: {  	s3 =	sadd.s32 $0x88, s3;
	s6 =	simm.s32 @!p1 $0x1082;
	[sflag:s4] =	ssyncset.s32 $0xFFFFF086  }
0x25: {  	[simem:s6], [sflag:s4] =	dma.local [hbm:s3], $0xF7A  }
0x26: {  	[smem:$0x3F9B] =	sst s1;
	(tag) =	ssettag s2;
	_ =	strace s9  }
0x27: {  	s1 =	sld [smem:$0x3FAB]  }
0x28: {  	s2 =	sld [smem:$0x3FAC]  }
0x29: {  	s4 =	sld [smem:$0x3FAE]  }
0x2a: {  	p0 =	seq.s32 s5, $0x0;
	s5 =	sld [smem:$0x3FAF]  }
0x2b: {  	s6 =	sld [smem:$0x3FB0]  }
0x2c: {  	s7 =	sld [smem:$0x3FB1]  }
0x2d: {  	s3 =	simm.s32 $0x108;
	s8 =	sld [smem:$0x3FB2]  }
0x2e: {  	s3 =	simm.s32 @!p0 $0x1082;
	s9 =	sld [smem:$0x3FB3]  }
0x2f: {  	lr =	sadd.s32 s0, s3;
	s0 =	sld [smem:$0x3FAA]  }
0x30: {  	s3 =	sld [smem:$0x3FAD]  }
0x31: {  	[smem:$0x3FB6] =	sst s10  }
0x32: {  	s10 =	sld [smem:$0x3FB4];
	_ =	sdelay $0x3  }
0x33: {  	p0 =	seq.s32 s10, $0x1;
	s10 =	sld [smem:$0x3FB6];
	_ =	sdelay $0x3  }
0x34: {  	[smem:$0x3FB6] =	sst s10  }
0x35: {  	s10 =	sld [smem:$0x3FB5];
	_ =	sdelay $0x3  }
0x36: {  	p1 =	seq.s32 s10, $0x1;
	s10 =	sld [smem:$0x3FB6];
	_ =	sdelay $0x3  }
0x37: {  	[smem:$0x3FB6] =	sst s10  }
0x38: {  	s10 =	sld [smem:$0x3FB7]  }
0x39: {  	_ = 	snop;
	(pc) =	sbr.ind lr, $3  }
0x3a: {  	_ = 	snop  }
0x3b: {  	_ = 	snop  }
0x3c: {  	p2 =	seq.s32 s10, $0x1;
	s10 =	sld [smem:$0x3FB6]  }
0x3d: {  	_ =	shalt  }
0x3e: {  	_ =	shalt  }
0x3f: {  	_ =	shalt  }
0x40: {  	_ =	shalt  }
0x41: {  	_ =	shalt  }
0x42: {  	_ =	shalt  }
0x43: {  	_ =	shalt  }
0x44: {  	_ =	shalt  }
0x45: {  	_ =	shalt  }
0x46: {  	_ =	shalt  }
0x47: {  	_ =	shalt  }
0x48: {  	_ =	shalt  }
0x49: {  	_ =	shalt  }
0x4a: {  	_ =	shalt  }
0x4b: {  	_ =	shalt  }
0x4c: {  	_ =	shalt  }
0x4d: {  	_ =	shalt  }
0x4e: {  	_ =	shalt  }
0x4f: {  	_ =	shalt  }
0x50: {  	_ =	shalt  }
0x51: {  	_ =	shalt  }
0x52: {  	_ =	shalt  }
0x53: {  	_ =	shalt  }
0x54: {  	_ =	shalt  }
0x55: {  	_ =	shalt  }
0x56: {  	_ =	shalt  }
0x57: {  	_ =	shalt  }
0x58: {  	_ =	shalt  }
0x59: {  	_ =	shalt  }
0x5a: {  	_ =	shalt  }
0x5b: {  	_ =	shalt  }
0x5c: {  	_ =	shalt  }
0x5d: {  	_ =	shalt  }
0x5e: {  	_ =	shalt  }
0x5f: {  	_ =	shalt  }
0x60: {  	_ =	shalt  }
0x61: {  	_ =	shalt  }
0x62: {  	_ =	shalt  }
0x63: {  	_ =	shalt  }
0x64: {  	_ =	shalt  }
0x65: {  	_ =	shalt  }
0x66: {  	_ =	shalt  }
0x67: {  	_ =	shalt  }
0x68: {  	_ =	shalt  }
0x69: {  	_ =	shalt  }
0x6a: {  	_ =	shalt  }
0x6b: {  	_ =	shalt  }
0x6c: {  	_ =	shalt  }
0x6d: {  	_ =	shalt  }
0x6e: {  	_ =	shalt  }
0x6f: {  	_ =	shalt  }
0x70: {  	_ =	shalt  }
0x71: {  	_ =	shalt  }
0x72: {  	_ =	shalt  }
0x73: {  	_ =	shalt  }
0x74: {  	_ =	shalt  }
0x75: {  	_ =	shalt  }
0x76: {  	_ =	shalt  }
0x77: {  	_ =	shalt  }
0x78: {  	_ =	shalt  }
0x79: {  	_ =	shalt  }
0x7a: {  	_ =	shalt  }
0x7b: {  	_ =	shalt  }
0x7c: {  	_ =	shalt  }
0x7d: {  	_ =	shalt  }
0x7e: {  	_ =	shalt  }
0x7f: {  	_ =	shalt  }
0x80: {  	_ =	shalt  }
0x81: {  	_ =	shalt  }
0x82: {  	_ =	shalt  }
0x83: {  	_ =	shalt  }
0x84: {  	_ =	shalt  }
0x85: {  	_ =	shalt  }
0x86: {  	_ =	shalt  }
0x87: {  	_ =	shalt  }
.Lfunc_end0:
.L_simem_size_0:
called_computation_lowered:
.L_overlay_start_0:
0x88: {  	s2 =	sld [smem:$0x3FD9]  }
0x89: {  	s3 =	sld [smem:$0x3FFE];
	_ =	sdelay $0x1  }
0x8a: {  	s1 =	srdreg.scid  }
0x8b: {  	s0 =	sand.u32 $0x1, s1  }
0x8c: {  	s17 =	sshll.u32 s0, $0xA;
	s2 =	sadd.s32 s3, s2  }
0x8d: {  	s2 =	sadd.s32 s2, s17  }
0x8e: {  	[smem:$0x3FC2] =	sst s2  }
0x8f: {  	_ = 	snop  }
0x90: {  	s2 =	sld [smem:$0x3FD0];
	(tm) =	ssettm $0x1  }
0x91: {  	s18 =	sld [smem:$0x3FFB];
	_ =	sdelay $0x3  }
0x92: {  	_ =	strace s18  }
0x93: {  	s3 =	sld [smem:$0x3FFC];
	_ =	sdelay $0x3  }
0x94: {  	_ =	strace s3  }
0x95: {  	s3 =	sld [smem:$0x3FFD];
	_ =	sdelay $0x3  }
0x96: {  	_ =	strace s3  }
0x97: {  	_ =	strace $0x8FFFFFFF  }
0x98: {  	s19 =	sld [smem:$0x3FDB];
	_ =	sdelay $0x1  }
0x99: {  	s4 =	simm.s32 $_scs_section_size  }
0x9a: {  	s5 =	simm.s32 $_size__tile_overlayer_lowered;
	s6 =	simm.s32 $_tile_overlayer_lowered  }
0x9b: {  	s22 =	simm.s32 $0x1BFF;
	s21 =	sshll.u32 s6, $0x1;
	s3 =	sadd.s32 s4, s19  }
0x9c: {  	s7 =	simm.s32 $0x0;
	s20 =	sshll.u32 s5, $0x1;
	s5 =	sadd.s32 s21, s3  }
0x9d: {  	[timem:s7], [sflag:s22] =	dma.local [hbm:s5], s20  }
0x9e: {  	_ =	swait.ge [sflag:s22], s20  }
0x9f: {  	s4 =	ssub.s32 $0x0, s20;
	[sflag:s22] =	ssyncset.done $0x0  }
0xa0: {  	[sflag:s22] =	ssyncadd.s32 s4;
	_ =	sdelay $0x1  }
0xa1: {  	s23 =	simm.s32 $0x1B8B  }
0xa2: {  	_ =	swait.ge [sflag:s23], $0x1  }
0xa3: {  	[sflag:s23] =	ssyncset.done $0x0  }
0xa4: {  	s25 =	simm.s32 $0x1B8E;
	s24 =	sld [smem:$0x3FFE];
	[sflag:s23] =	ssyncadd.s32 $0xFFFFFFFF  }
0xa5: {  	s26 =	simm.s32 $execute0_lowered;
	[smem:$0x3FD2] =	sst s25  }
0xa6: {  	s5 =	sshll.u32 s26, $0x1;
	_ =	strace $0x80000046;
	[dreg:$0x1] =	wrdreg $0xFFFFFFFF  }
0xa7: {  	s28 =	simm.s32 $_size_execute0_lowered;
	s3 =	sadd.s32 s3, s5;
	[dreg:$0x0] =	wrdreg $0x0  }
0xa8: {  	s5 =	sshll.u32 s28, $0x1;
	[dreg:$0x2] =	wrdreg s3  }
0xa9: {  	[dreg:$0x3] =	wrdreg s5  }
0xaa: {  	[dreg:$0x4] =	wrdreg $0xC0  }
0xab: {  	_ =	task [dreg:s7], $0x5FFFF  }
0xac: {  	[dreg:$0x1] =	wrdreg $0xFFFFFFFF  }
0xad: {  	[dreg:$0x0] =	wrdreg $0x60  }
0xae: {  	[dreg:$0x2] =	wrdreg s24  }
0xaf: {  	[dreg:$0x3] =	wrdreg s2  }
0xb0: {  	[dreg:$0x4] =	wrdreg $0xC0000  }
0xb1: {  	[dreg:$0x5] =	wrdreg $0x9  }
0xb2: {  	_ =	task.clear_ibuf [dreg:s7], $0x6FFFF;
	_ =	strace $0x90000046  }
0xb3: {  	s29 =	simm.s32 $0x9;
	_ =	strace $0x80000048  }
0xb4: {  	_ =	swait.ge [sflag:s29], $0x1  }
0xb5: {  	[sflag:s29] =	ssyncadd.s32 $0xFFFFFFFF  }
0xb6: {  	_ =	strace $0x90000048  }
0xb7: {  	_ =	sfence  }
0xb8: {  	s30 =	sld [smem:$0x0];
	_ =	sdelay $0x2  }
0xb9: {  	s31 =	sshll.u32 s1, $0xD;
	s1 =	sshrl.u32 s1, $0x2  }
0xba: {  	s3 =	sand.u32 $0x4000, s31;
	s1 =	sadd.s32 s1, s30  }
0xbb: {  	s0 =	sor.u32 s3, s0;
	s1 =	sshll.u32 s1, $0x11  }
0xbc: {  	s0 =	sor.u32 s1, s0  }
0xbd: {  	s0 =	sadd.s32 $0x8F2B, s0  }
0xbe: {  	[sflag:s0] =	ssyncadd.remote.s32 $0x1  }
0xbf: {  	_ =	sfence.sel $0xFFFF  }
0xc0: {  	[dreg:$0x0] =	wrdreg $0xFFFFFFFF;
	(pc) =	sbr.abs _section_cstart, $3  }
0xc1: {  	[dreg:$0x1] =	wrdreg $0xFFFFFFFF  }
0xc2: {  	_ =	task.clear_ibuf [dreg:s7], $0x2FFFF;
	_ =	strace $0x9FFFFFFF  }
0xc3: {  	(tm) =	ssettm $0x7FFFFFFF  }
tec
execute0_lowered:
.L_overlay_start_1:
0x0: {  	(tag) =	ssettag $0x1  }
0x1: {  	s0 =	rddreg [dreg:$0x0]  }
0x2: {  	s2 =	rddreg [dreg:$0x1]  }
0x3: {  	s3 =	rddreg [dreg:$0x2]  }
0x4: {  	s4 =	stileid.u32;
	s1 =	srdreg.scid;
	s11 =	simm.s32 $0x0  }
0x5: {  	s13 =	simm.s32 $0x9;
	s14 =	simm.s32 $0x1000;
	s15 =	simm.s32 $0x50  }
0x6: {  	s16 =	simm.s32 $0x2000;
	s17 =	simm.s32 $0x80;
	s18 =	simm.s32 $0x4800  }
0x7: {  	s19 =	simm.s32 $0x100;
	s20 =	simm.s32 $0x7000;
	s21 =	simm.s32 $0x180  }
0x8: {  	s28 =	simm.s32 $0x5;
	s29 =	simm.s32 $0x6;
	s30 =	simm.s32 $0x7  }
0x9: {  	s31 =	simm.s32 $0x8;
	s7 =	smul.u32 $0x14000, s4;
	s1 =	sand.u32 $0x1, s1  }
0xa: {  	[smem:$0x7FF] =	sst s11;
	s5 =	sadd.s32 $0x11A00, s0;
	s6 =	sadd.s32 $0x1A00, s0  }
0xb: {  	s22 =	smul.u32 $0x50000, s4;
	s24 =	sshll.u32 s4, $0x6;
	s25 =	sshll.u32 s4, $0xB  }
0xc: {  	s8 =	smul.u32 $0x140000, s1;
	_ =	strace $0x80000047;
	s10 =	ssub.s32 $0x2, s1  }
0xd: {  	s1 =	sshll.u32 s1, $0xF;
	s12 =	sor.u32 $0x1C09, s24;
	s24 =	simm.s32 $0x2  }
0xe: {  	s9 =	sshrl.u32 s7, $0x3;
	s23 =	sshrl.u32 s10, $0x1;
	[dreg:$0x6] =	wrdreg s12  }
0xf: {  	s7 =	sadd.s32 s7, s8;
	s9 =	sadd.s32 s9, s0;
	s8 =	sshrl.u32 s22, $0x2  }
0x10: {  	s22 =	simm.s32 $0x9800;
	s7 =	sshrl.u32 s7, $0x3;
	s8 =	sadd.s32 s8, s3  }
0x11: {  	s9 =	sadd.s32 $0x38C00, s9;
	s0 =	sadd.s32 s7, s0;
	s7 =	ssub.s32 s10, s23  }
0x12: {  	[dreg:$0x5] =	wrdreg s9;
	s9 =	sor.u32 s25, s1;
	s8 =	sshrl.u32 s8, $0x3  }
0x13: {  	s23 =	simm.s32 $0x1;
	s25 =	simm.s32 $0x3;
	s1 =	simm.s32 $0x1E80  }
0x14: {  	s10 =	simm.s32 $0x1F80;
	s0 =	sadd.s32 $0x60C00, s0;
	[dreg:$0x9] =	wrdreg s8  }
0x15: {  	s26 =	smax.u32 s7, $0x1;
	s7 =	simm.s32 $0x1F00;
	[dreg:$0x7] =	wrdreg s0  }
0x16: {  	[dreg:$0x8] =	wrdreg s26;
	s26 =	simm.s32 $0x4;
	s0 =	simm.s32 $0x1E00  }
.LBB2_1:
0x17: {  	[dreg:$0x4] =	wrdreg s11  }
0x18: {  	s4 =	rddreg [dreg:$0x5]  }
0x19: {  	[spmem:s8], [sflag:s12] =	dma.local [hbm:s4], $0x2800  }
0x1a: {  	_ =	swait.ge [sflag:s13], $0x2800  }
0x1b: {  	[sflag:s13] =	ssyncset.done $0x0  }
0x1c: {  	[sflag:s13] =	ssyncadd.s32 $0xFFFFD800  }
0x1d: {  	s11 =	simm.s32 $0x0;
	[bflag:$0x0] =	sbarrier.arrive $0xFFFF  }
.LBB2_2:
0x1e: {  	s8 =	sshll.u32 s11, $0x9  }
0x1f: {  	s8 =	sadd.s32 s9, s8  }
0x20: {  	s4 =	simm.s32 $0x0;
	s12 =	sadd.s32 s2, s8  }
0x21: {  	[tilespmem:s4], [sflag:$0x9] =	stream.linear.gather [hbm4b:s12+s4], $0x1000, $0x38;
	v63 =	vld [tilespmem:$0x0]  }
0x22: {  	_ =	swait.ge [sflag:s13], $0x1000  }
0x23: {  	[sflag:s13] =	ssyncset.done $0x0  }
0x24: {  	s8 =	sadd.s32 s6, s8;
	[sflag:s13] =	ssyncadd.s32 $0xFFFFF000  }
0x25: {  	[tilespmem:s14], [sflag:$0x9] =	stream.linear.gather [hbm4b:s8+s4], $0x1000, $0x38;
	v63 =	vld [tilespmem:$0x0]  }
0x26: {  	_ =	swait.ge [sflag:s13], $0x1000  }
0x27: {  	[sflag:s13] =	ssyncset.done $0x0  }
0x28: {  	[sflag:s13] =	ssyncadd.s32 $0xFFFFF000  }
0x29: {  	[tilespmem:s16], [sflag:$0x1] =	stream.indirect.gather [hbm4b:s5+s15], $0x80, s4, s15, $0xb8;
	v63 =	vld [tilespmem:$0x0]  }
0x2a: {  	_ = 	snop  }
0x2b: {  	[tilespmem:s18], [sflag:$0x2] =	stream.indirect.gather [hbm4b:s5+s15], $0x80, s17, s15, $0xb8;
	v63 =	vld [tilespmem:$0x0]  }
0x2c: {  	_ = 	snop  }
0x2d: {  	[tilespmem:s20], [sflag:$0x3] =	stream.indirect.gather [hbm4b:s5+s15], $0x80, s19, s15, $0xb8;
	v63 =	vld [tilespmem:$0x0]  }
0x2e: {  	_ = 	snop  }
0x2f: {  	[tilespmem:s22], [sflag:$0x4] =	stream.indirect.gather [hbm4b:s5+s15], $0x80, s21, s15, $0xb8;
	v63 =	vld [tilespmem:$0x0]  }
0x30: {  	_ =	swait.ge [sflag:s23], $0x2800  }
0x31: {  	[sflag:s23] =	ssyncset.done $0x0  }
0x32: {  	s12 =	simm.s32 $0x1000;
	[sflag:s23] =	ssyncadd.s32 $0xFFFFD800  }
0x33: {  	[spmem:s3] =	stream.indirect.scatter.add.f32 [tilespmem:s16], [sflag:$0x5], $0x80, s12, s15, $0xb8;
	v63 =	vld [tilespmem:$0x0]  }
0x34: {  	_ =	swait.ge [sflag:s24], $0x2800  }
0x35: {  	[sflag:s24] =	ssyncset.done $0x0  }
0x36: {  	s8 =	simm.s32 $0x1080;
	[sflag:s24] =	ssyncadd.s32 $0xFFFFD800  }
0x37: {  	[spmem:s3] =	stream.indirect.scatter.add.f32 [tilespmem:s18], [sflag:$0x6], $0x80, s8, s15, $0xb8;
	v63 =	vld [tilespmem:$0x0]  }
0x38: {  	_ =	swait.ge [sflag:s25], $0x2800  }
0x39: {  	[sflag:s25] =	ssyncset.done $0x0  }
0x3a: {  	s12 =	simm.s32 $0x1100;
	[sflag:s25] =	ssyncadd.s32 $0xFFFFD800  }
0x3b: {  	[spmem:s3] =	stream.indirect.scatter.add.f32 [tilespmem:s20], [sflag:$0x7], $0x80, s12, s15, $0xb8;
	v63 =	vld [tilespmem:$0x0]  }
0x3c: {  	_ =	swait.ge [sflag:s26], $0x2800  }
0x3d: {  	[sflag:s26] =	ssyncset.done $0x0  }
0x3e: {  	s8 =	simm.s32 $0x1180;
	[sflag:s26] =	ssyncadd.s32 $0xFFFFD800  }
0x3f: {  	[spmem:s3] =	stream.indirect.scatter.add.f32 [tilespmem:s22], [sflag:$0x8], $0x80, s8, s15, $0xb8;
	v63 =	vld [tilespmem:$0x0]  }
0x40: {  	_ =	swait.ge [sflag:s28], $0x2800  }
0x41: {  	[sflag:s28] =	ssyncset.done $0x0  }
0x42: {  	s12 =	simm.s32 $0x200;
	[sflag:s28] =	ssyncadd.s32 $0xFFFFD800  }
0x43: {  	[tilespmem:s16], [sflag:$0x1] =	stream.indirect.gather [hbm4b:s5+s15], $0x80, s12, s15, $0xb8;
	v63 =	vld [tilespmem:$0x0]  }
0x44: {  	_ =	swait.ge [sflag:s29], $0x2800  }
0x45: {  	[sflag:s29] =	ssyncset.done $0x0  }
0x46: {  	s8 =	simm.s32 $0x280;
	[sflag:s29] =	ssyncadd.s32 $0xFFFFD800  }
0x47: {  	[tilespmem:s18], [sflag:$0x2] =	stream.indirect.gather [hbm4b:s5+s15], $0x80, s8, s15, $0xb8;
	v63 =	vld [tilespmem:$0x0]  }
0x48: {  	_ =	swait.ge [sflag:s30], $0x2800  }
0x49: {  	[sflag:s30] =	ssyncset.done $0x0  }
0x4a: {  	s12 =	simm.s32 $0x300;
	[sflag:s30] =	ssyncadd.s32 $0xFFFFD800  }
0x4b: {  	[tilespmem:s20], [sflag:$0x3] =	stream.indirect.gather [hbm4b:s5+s15], $0x80, s12, s15, $0xb8;
	v63 =	vld [tilespmem:$0x0]  }
0x4c: {  	_ =	swait.ge [sflag:s31], $0x2800  }
0x4d: {  	[sflag:s31] =	ssyncset.done $0x0  }
0x4e: {  	s8 =	simm.s32 $0x800;
	s12 =	simm.s32 $0x380;
	[sflag:s31] =	ssyncadd.s32 $0xFFFFD800  }
.LBB2_3:
0x4f: {  	[tilespmem:s22], [sflag:$0x4] =	stream.indirect.gather [hbm4b:s5+s15], $0x80, s12, s15, $0xb8;
	v63 =	vld [tilespmem:$0x0]  }
0x50: {  	s4 =	smov.u32 s8  }
0x51: {  	p0 =	sne.s32 s8, $0x3000;
	s8 =	sadd.s32 $0x800, s8;
	_ =	swait.ge [sflag:s23], $0x2800  }
0x52: {  	s12 =	sshra.s32 s4, $0x2;
	[sflag:s23] =	ssyncset.done $0x0  }
0x53: {  	s4 =	sadd.s32 $0x1000, s12;
	[sflag:s23] =	ssyncadd.s32 $0xFFFFD800  }
0x54: {  	[spmem:s3] =	stream.indirect.scatter.add.f32 [tilespmem:s16], [sflag:$0x5], $0x80, s4, s15, $0xb8;
	v63 =	vld [tilespmem:$0x0]  }
0x55: {  	_ =	swait.ge [sflag:s24], $0x2800  }
0x56: {  	[sflag:s24] =	ssyncset.done $0x0  }
0x57: {  	s4 =	sadd.s32 $0x1080, s12;
	[sflag:s24] =	ssyncadd.s32 $0xFFFFD800  }
0x58: {  	[spmem:s3] =	stream.indirect.scatter.add.f32 [tilespmem:s18], [sflag:$0x6], $0x80, s4, s15, $0xb8;
	v63 =	vld [tilespmem:$0x0]  }
0x59: {  	_ =	swait.ge [sflag:s25], $0x2800  }
0x5a: {  	[sflag:s25] =	ssyncset.done $0x0  }
0x5b: {  	s4 =	sadd.s32 $0x1100, s12;
	[sflag:s25] =	ssyncadd.s32 $0xFFFFD800  }
0x5c: {  	[spmem:s3] =	stream.indirect.scatter.add.f32 [tilespmem:s20], [sflag:$0x7], $0x80, s4, s15, $0xb8;
	v63 =	vld [tilespmem:$0x0]  }
0x5d: {  	_ =	swait.ge [sflag:s26], $0x2800  }
0x5e: {  	[sflag:s26] =	ssyncset.done $0x0  }
0x5f: {  	s4 =	sadd.s32 $0x1180, s12;
	[sflag:s26] =	ssyncadd.s32 $0xFFFFD800  }
0x60: {  	[spmem:s3] =	stream.indirect.scatter.add.f32 [tilespmem:s22], [sflag:$0x8], $0x80, s4, s15, $0xb8;
	v63 =	vld [tilespmem:$0x0]  }
0x61: {  	_ =	swait.ge [sflag:s28], $0x2800  }
0x62: {  	[sflag:s28] =	ssyncset.done $0x0  }
0x63: {  	s4 =	sadd.s32 $0x200, s12;
	[sflag:s28] =	ssyncadd.s32 $0xFFFFD800  }
0x64: {  	[tilespmem:s16], [sflag:$0x1] =	stream.indirect.gather [hbm4b:s5+s15], $0x80, s4, s15, $0xb8;
	v63 =	vld [tilespmem:$0x0]  }
0x65: {  	_ =	swait.ge [sflag:s29], $0x2800  }
0x66: {  	[sflag:s29] =	ssyncset.done $0x0  }
0x67: {  	s4 =	sadd.s32 $0x280, s12;
	[sflag:s29] =	ssyncadd.s32 $0xFFFFD800  }
0x68: {  	[tilespmem:s18], [sflag:$0x2] =	stream.indirect.gather [hbm4b:s5+s15], $0x80, s4, s15, $0xb8;
	v63 =	vld [tilespmem:$0x0]  }
0x69: {  	_ =	swait.ge [sflag:s30], $0x2800  }
0x6a: {  	[sflag:s30] =	ssyncset.done $0x0  }
.Ltmp0:
0x6b: {  	s4 =	sadd.s32 $0x300, s12;
	[sflag:s30] =	ssyncadd.s32 $0xFFFFD800;
	(pc) =	sbr.rel @p0 .LBB2_3-.Ltmp0, $4  }
0x6c: {  	[tilespmem:s20], [sflag:$0x3] =	stream.indirect.gather [hbm4b:s5+s15], $0x80, s4, s15, $0xb8;
	v63 =	vld [tilespmem:$0x0]  }
0x6d: {  	_ =	swait.ge [sflag:s31], $0x2800  }
0x6e: {  	[sflag:s31] =	ssyncset.done $0x0  }
0x6f: {  	s12 =	sadd.s32 $0x380, s12;
	[sflag:s31] =	ssyncadd.s32 $0xFFFFD800  }
0x70: {  	[tilespmem:s22], [sflag:$0x4] =	stream.indirect.gather [hbm4b:s5+s15], $0x80, s12, s15, $0xb8;
	v63 =	vld [tilespmem:$0x0]  }
0x71: {  	_ =	swait.ge [sflag:s23], $0x2800  }
0x72: {  	[sflag:s23] =	ssyncset.done $0x0  }
0x73: {  	[sflag:s23] =	ssyncadd.s32 $0xFFFFD800  }
0x74: {  	[spmem:s3] =	stream.indirect.scatter.add.f32 [tilespmem:s16], [sflag:$0x5], $0x80, s0, s15, $0xb8;
	v63 =	vld [tilespmem:$0x0]  }
0x75: {  	_ =	swait.ge [sflag:s24], $0x2800  }
0x76: {  	[sflag:s24] =	ssyncset.done $0x0  }
0x77: {  	[sflag:s24] =	ssyncadd.s32 $0xFFFFD800  }
0x78: {  	[spmem:s3] =	stream.indirect.scatter.add.f32 [tilespmem:s18], [sflag:$0x6], $0x80, s1, s15, $0xb8;
	v63 =	vld [tilespmem:$0x0]  }
0x79: {  	_ =	swait.ge [sflag:s25], $0x2800  }
0x7a: {  	[sflag:s25] =	ssyncset.done $0x0  }
0x7b: {  	[sflag:s25] =	ssyncadd.s32 $0xFFFFD800  }
0x7c: {  	[spmem:s3] =	stream.indirect.scatter.add.f32 [tilespmem:s20], [sflag:$0x7], $0x80, s7, s15, $0xb8;
	v63 =	vld [tilespmem:$0x0]  }
0x7d: {  	_ =	swait.ge [sflag:s26], $0x2800  }
0x7e: {  	[sflag:s26] =	ssyncset.done $0x0  }
0x7f: {  	[sflag:s26] =	ssyncadd.s32 $0xFFFFD800  }
0x80: {  	[spmem:s3] =	stream.indirect.scatter.add.f32 [tilespmem:s22], [sflag:$0x8], $0x80, s10, s15, $0xb8;
	v63 =	vld [tilespmem:$0x0]  }
0x81: {  	_ =	swait.ge [sflag:s28], $0x2800  }
0x82: {  	[sflag:s28] =	ssyncset.done $0x0  }
0x83: {  	[sflag:s28] =	ssyncadd.s32 $0xFFFFD800  }
0x84: {  	_ =	swait.ge [sflag:s29], $0x2800  }
0x85: {  	[sflag:s29] =	ssyncset.done $0x0  }
0x86: {  	s11 =	sadd.s32 $0x1, s11;
	[sflag:s29] =	ssyncadd.s32 $0xFFFFD800  }
0x87: {  	p0 =	sne.s32 s11, $0x4;
	_ =	swait.ge [sflag:s30], $0x2800  }
.Ltmp1:
0x88: {  	[sflag:s30] =	ssyncset.done $0x0;
	(pc) =	sbr.rel @p0 .LBB2_2-.Ltmp1, $4  }
0x89: {  	[sflag:s30] =	ssyncadd.s32 $0xFFFFD800  }
0x8a: {  	_ =	swait.ge [sflag:s31], $0x2800  }
0x8b: {  	[sflag:s31] =	ssyncset.done $0x0  }
0x8c: {  	[sflag:s31] =	ssyncadd.s32 $0xFFFFD800  }
0x8d: {  	[bflag:$0x0] =	sbarrier.arrive $0xFFFF  }
0x8e: {  	s12 =	rddreg [dreg:$0x6]  }
0x8f: {  	s4 =	rddreg [dreg:$0x7]  }
0x90: {  	s8 =	rddreg [dreg:$0x9]  }
0x91: {  	[hbm:s4], [sflag:s12] =	dma.local [spmem:s8], $0x2800  }
0x92: {  	_ =	swait.ge [sflag:s13], $0x2800  }
0x93: {  	s11 =	rddreg [dreg:$0x4]  }
0x94: {  	s4 =	rddreg [dreg:$0x8];
	s11 =	sadd.s32 $0x1, s11  }
0x95: {  	p0 =	sne.s32 s11, s4  }
.Ltmp2:
0x96: {  	_ = 	snop;
	(pc) =	sbr.rel @p0 .LBB2_1-.Ltmp2, $3  }
0x97: {  	_ =	sdelay $0x1  }
0x98: {  	[sflag:s13] =	ssyncset.done $0x0  }
0x99: {  	[sflag:s13] =	ssyncadd.s32 $0xFFFFD800  }
0x9a: {  	_ =	sfence.sel $0x180000  }
0x9b: {  	[bflag:$0x0] =	sbarrier.arrive $0xFFFF  }
0x9c: {  	_ =	strace $0x90000047  }
0x9d: {  	s0 =	stileid.u32;
	[bflag:$0x2] =	sbarrier.arrive $0xFFFF  }
0x9e: {  	p0 =	sne.s32 s0, $0x0;
	s0 =	rddreg [dreg:$0x3]  }
0x9f: {  	s0 =	sadd.s32 @!p0 $0x100000, s0  }
0xa0: {  	[sflag:s0] =	ssyncadd.tile.s32 @!p0 $0x1;
	_ =	shalt  }
.Lfunc_end2:
_tile_overlayer_lowered:
.L_overlay_start_2:
0xa1: {  	(tag) =	ssettag $0x2  }
0xa2: {  	s0 =	rddreg [dreg:$0x0];
	s2 =	stileid.u32  }
0xa3: {  	s1 =	rddreg [dreg:$0x1];
	p0 =	sne.s32 s2, $0x0  }
0xa4: {  	s3 =	rddreg [dreg:$0x2];
	[bflag:$0x3] =	sbarrier.arrive $0xFFFF;
	s2 =	simm.s32 @!p0 $0x1C09  }
0xa5: {  	[timem:s3], [sflag:s2] =	dma.local @!p0 [hbm:s0], s1  }
0xa6: {  	s0 =	simm.s32 @!p0 $0x9  }
0xa7: {  	_ =	swait.ge @!p0 [sflag:s0], s1  }
0xa8: {  	s1 =	ssub.s32 @!p0 $0x0, s1;
	[sflag:s0] =	ssyncset.done @!p0 $0x0  }
0xa9: {  	[sflag:s0] =	ssyncadd.s32 @!p0 s1  }
0xaa: {  	[bflag:$0x3] =	sbarrier.arrive $0xFFFF  }
0xab: {  	_ =	shalt  }

</sc_bundles>
